<compile_context>
chip_gen: v7x
topology: tpu7x:2x2x1
jax: 0.10.2.dev20260603
libtpu: 0.0.44.dev20260713+nightly
codegen_flags: <defaults>
</compile_context>

<pallas_src>
import functools

import jax
import jax.numpy as jnp
from jax import lax
from jax.experimental import pallas as pl
from jax.experimental.pallas import tpu as pltpu
from jax.experimental.pallas import tpu_sc as plsc

NV = 10000
NPAD = 10240
NB = 512
NG = NPAD // NB
E = 160000
D = 128
K = 5000
KPAD = 5120
NW = 32
WROWS = 8
NPASS = NPAD // (NW * WROWS)
ECH = 4000

_MESH = plsc.VectorSubcoreMesh(core_axis_name="c", subcore_axis_name="s")


def _wid():
    return lax.axis_index("s") * 2 + lax.axis_index("c")


@functools.partial(
    pl.kernel,
    out_type=jax.ShapeDtypeStruct((NPAD * NPAD,), jnp.float32),
    mesh=_MESH,
    compiler_params=pltpu.CompilerParams(needs_layout_passes=False),
    scratch_types=[
        pltpu.VMEM((WROWS * NPAD,), jnp.float32),
        pltpu.VMEM((ECH,), jnp.int32),
        pltpu.VMEM((ECH,), jnp.int32),
    ],
)
def _k1_build(dst_hbm, src_hbm, out_hbm, win, dbuf, sbuf):
    w = _wid()
    zero16 = jnp.zeros((16,), jnp.float32)
    one16 = jnp.ones((16,), jnp.float32)
    lane = lax.iota(jnp.int32, 16)

    def one_pass(p, _):
        base = (p * NW + w) * WROWS

        def zcol(j, _):
            win[pl.ds(j * 16, 16)] = zero16
            return 0
        lax.fori_loop(0, WROWS * NPAD // 16, zcol, 0)

        for r in range(WROWS):
            g = base + r
            @pl.when(g < NV)
            def _():
                plsc.addupdate_scatter(
                    win, [jnp.full((16,), r * NPAD + g, jnp.int32)],
                    one16, mask=lane == 0)

        def chunk(c, _):
            pltpu.sync_copy(dst_hbm.at[pl.ds(c * ECH, ECH)], dbuf)
            pltpu.sync_copy(src_hbm.at[pl.ds(c * ECH, ECH)], sbuf)

            def grp(g, _):
                d = dbuf[pl.ds(g * 16, 16)]
                s = sbuf[pl.ds(g * 16, 16)]
                rel = d - base
                m = (rel >= 0) & (rel < WROWS)
                flat = jnp.where(m, rel * NPAD + s, 0)
                plsc.addupdate_scatter(win, [flat], one16, mask=m)
                return 0
            lax.fori_loop(0, ECH // 16, grp, 0)
            return 0
        lax.fori_loop(0, E // ECH, chunk, 0)

        pltpu.sync_copy(win, out_hbm.at[pl.ds(base * NPAD, WROWS * NPAD)])
        return 0

    lax.fori_loop(0, NPASS, one_pass, 0)


def _cast_kernel(x_ref, o_ref):
    o_ref[...] = x_ref[...].astype(jnp.bfloat16)


def _k15_cast(bd):
    return pl.pallas_call(
        _cast_kernel,
        grid=(NG, NG),
        in_specs=[pl.BlockSpec((NB, NB), lambda i, j: (i, j))],
        out_specs=pl.BlockSpec((NB, NB), lambda i, j: (i, j)),
        out_shape=jax.ShapeDtypeStruct((NPAD, NPAD), jnp.bfloat16),
    )(bd)


def _mm_kernel(a_ref, b_ref, c_ref, acc_ref):
    k = pl.program_id(2)

    @pl.when(k == 0)
    def _():
        acc_ref[...] = jnp.zeros_like(acc_ref)

    acc_ref[...] += jnp.dot(a_ref[...], b_ref[...],
                            preferred_element_type=jnp.float32)

    @pl.when(k == NG - 1)
    def _():
        i = pl.program_id(0)
        j = pl.program_id(1)
        acc = acc_ref[...]
        rows = lax.broadcasted_iota(jnp.int32, (NB, NB), 0)
        cols = lax.broadcasted_iota(jnp.int32, (NB, NB), 1)
        isdiag = jnp.logical_and(rows == cols, i == j)
        c_ref[...] = jnp.where(isdiag, 1.0, acc).astype(jnp.bfloat16)


def _k2_square(bb):
    return pl.pallas_call(
        _mm_kernel,
        grid=(NG, NG, NG),
        in_specs=[
            pl.BlockSpec((NB, NB), lambda i, j, k: (i, k)),
            pl.BlockSpec((NB, NB), lambda i, j, k: (k, j)),
        ],
        out_specs=pl.BlockSpec((NB, NB), lambda i, j, k: (i, j)),
        out_shape=jax.ShapeDtypeStruct((NPAD, NPAD), jnp.bfloat16),
        scratch_shapes=[pltpu.VMEM((NB, NB), jnp.float32)],
        compiler_params=pltpu.CompilerParams(
            dimension_semantics=("parallel", "parallel", "arbitrary")),
    )(bb, bb)


def _dc_kernel(a_ref, b_ref, o_ref):
    j = pl.program_id(1)
    p = jnp.dot(a_ref[...], b_ref[...], preferred_element_type=jnp.float32)
    rows = lax.broadcasted_iota(jnp.int32, (NB, NB), 0)
    cols = lax.broadcasted_iota(jnp.int32, (NB, NB), 1)
    s = jnp.sum(jnp.where(rows == cols, p, 0.0), axis=1)

    @pl.when(j == 0)
    def _():
        o_ref[...] = s

    @pl.when(j != 0)
    def _():
        o_ref[...] = o_ref[...] + s


def _k3_dc(cb):
    return pl.pallas_call(
        _dc_kernel,
        grid=(NG, NG),
        in_specs=[
            pl.BlockSpec((NB, NB), lambda i, j: (i, j)),
            pl.BlockSpec((NB, NB), lambda i, j: (j, i)),
        ],
        out_specs=pl.BlockSpec((NB,), lambda i, j: (i,)),
        out_shape=jax.ShapeDtypeStruct((NPAD,), jnp.float32),
        compiler_params=pltpu.CompilerParams(
            dimension_semantics=("parallel", "arbitrary")),
    )(cb, cb)


def _capp_kernel(c_ref, z_ref, o_ref):
    j = pl.program_id(1)
    z = z_ref[...]
    zh = z.astype(jnp.bfloat16)
    zl = (z - zh.astype(jnp.float32)).astype(jnp.bfloat16)
    c = c_ref[...]
    p = (jnp.dot(c, zh, preferred_element_type=jnp.float32)
         + jnp.dot(c, zl, preferred_element_type=jnp.float32))

    @pl.when(j == 0)
    def _():
        o_ref[...] = p

    @pl.when(j != 0)
    def _():
        o_ref[...] = o_ref[...] + p


def _capp(cb, z):
    return pl.pallas_call(
        _capp_kernel,
        grid=(NG, NG),
        in_specs=[
            pl.BlockSpec((NB, NB), lambda i, j: (i, j)),
            pl.BlockSpec((NB, D), lambda i, j: (j, 0)),
        ],
        out_specs=pl.BlockSpec((NB, D), lambda i, j: (i, 0)),
        out_shape=jax.ShapeDtypeStruct((NPAD, D), jnp.float32),
        compiler_params=pltpu.CompilerParams(
            dimension_semantics=("parallel", "arbitrary")),
    )(cb, z)


MB = 1024


def _t3_kernel(h_ref, v_ref, dinv_ref, w_ref, o_ref):
    xp = h_ref[...] * v_ref[...][:, None]
    y = jnp.dot(xp, w_ref[...], preferred_element_type=jnp.float32)
    o_ref[...] = dinv_ref[...][:, None] * y


def _t3(hpad, vfull, dinv2f, w1):
    return pl.pallas_call(
        _t3_kernel,
        grid=(NPAD // MB,),
        in_specs=[
            pl.BlockSpec((MB, D), lambda m: (m, 0)),
            pl.BlockSpec((MB,), lambda m: (m,)),
            pl.BlockSpec((MB,), lambda m: (m,)),
            pl.BlockSpec((D, D), lambda m: (0, 0)),
        ],
        out_specs=pl.BlockSpec((MB, D), lambda m: (m, 0)),
        out_shape=jax.ShapeDtypeStruct((NPAD, D), jnp.float32),
    )(hpad, vfull, dinv2f, w1)


def _t4_kernel(u_ref, z_ref, dinv_ref, dc_ref, s_ref, w_ref, b_ref, o_ref):
    z = z_ref[...]
    dinv = dinv_ref[...][:, None]
    ah_z = u_ref[...] - dc_ref[...][:, None] * z + 2.0 * z
    h2 = jnp.maximum(dinv * ah_z + b_ref[...][None, :], 0.0)
    h2 = h2 * s_ref[...][:, None]
    y = jnp.dot(h2, w_ref[...], preferred_element_type=jnp.float32)
    o_ref[...] = dinv * y


def _t4(u2, z2, dinv2f, dcf, s_ind, w2, b1):
    return pl.pallas_call(
        _t4_kernel,
        grid=(NPAD // MB,),
        in_specs=[
            pl.BlockSpec((MB, D), lambda m: (m, 0)),
            pl.BlockSpec((MB, D), lambda m: (m, 0)),
            pl.BlockSpec((MB,), lambda m: (m,)),
            pl.BlockSpec((MB,), lambda m: (m,)),
            pl.BlockSpec((MB,), lambda m: (m,)),
            pl.BlockSpec((D, D), lambda m: (0, 0)),
            pl.BlockSpec((D,), lambda m: (0,)),
        ],
        out_specs=pl.BlockSpec((MB, D), lambda m: (m, 0)),
        out_shape=jax.ShapeDtypeStruct((NPAD, D), jnp.float32),
    )(u2, z2, dinv2f, dcf, s_ind, w2, b1)


def _t5_kernel(u_ref, z_ref, dinv_ref, dc_ref, b_ref, o_ref):
    z = z_ref[...]
    ah_z = u_ref[...] - dc_ref[...][:, None] * z + 2.0 * z
    o_ref[...] = dinv_ref[...][:, None] * ah_z + b_ref[...][None, :]


def _t5(u4, z3, dinv2f, dcf, b2):
    return pl.pallas_call(
        _t5_kernel,
        grid=(NPAD // MB,),
        in_specs=[
            pl.BlockSpec((MB, D), lambda m: (m, 0)),
            pl.BlockSpec((MB, D), lambda m: (m, 0)),
            pl.BlockSpec((MB,), lambda m: (m,)),
            pl.BlockSpec((MB,), lambda m: (m,)),
            pl.BlockSpec((D,), lambda m: (0,)),
        ],
        out_specs=pl.BlockSpec((MB, D), lambda m: (m, 0)),
        out_shape=jax.ShapeDtypeStruct((NPAD, D), jnp.float32),
    )(u4, z3, dinv2f, dcf, b2)


@functools.partial(
    pl.kernel,
    out_type=(jax.ShapeDtypeStruct((NPAD,), jnp.float32),
              jax.ShapeDtypeStruct((NPAD,), jnp.float32)),
    mesh=_MESH,
    compiler_params=pltpu.CompilerParams(needs_layout_passes=False),
    scratch_types=[
        pltpu.VMEM((KPAD,), jnp.int32),
        pltpu.VMEM((KPAD,), jnp.float32),
        pltpu.VMEM((NPAD,), jnp.float32),
        pltpu.VMEM((NPAD,), jnp.float32),
    ],
)
def _k55_scatter(perm_hbm, vals_hbm, sind_hbm, vfull_hbm, pbuf, vbuf, sb, vb):
    w = _wid()

    @pl.when(w == 0)
    def _():
        zero16 = jnp.zeros((16,), jnp.float32)
        one16 = jnp.ones((16,), jnp.float32)
        pltpu.sync_copy(perm_hbm, pbuf)
        pltpu.sync_copy(vals_hbm, vbuf)

        def z(j, _):
            sb[pl.ds(j * 16, 16)] = zero16
            vb[pl.ds(j * 16, 16)] = zero16
            return 0
        lax.fori_loop(0, NPAD // 16, z, 0)

        def g(i, _):
            p16 = pbuf[pl.ds(i * 16, 16)]
            v16 = vbuf[pl.ds(i * 16, 16)]
            plsc.store_scatter(sb, [p16], one16)
            plsc.store_scatter(vb, [p16], v16)
            return 0
        lax.fori_loop(0, KPAD // 16, g, 0)

        pltpu.sync_copy(sb, sind_hbm)
        pltpu.sync_copy(vb, vfull_hbm)


GW = KPAD // NW


@functools.partial(
    pl.kernel,
    out_type=jax.ShapeDtypeStruct((KPAD, D), jnp.float32),
    mesh=_MESH,
    compiler_params=pltpu.CompilerParams(needs_layout_passes=False),
    scratch_types=[
        pltpu.VMEM((GW,), jnp.int32),
        pltpu.VMEM((GW, D), jnp.float32),
        pltpu.SemaphoreType.DMA,
    ],
)
def _k7_gather(src_hbm, perm_hbm, out_hbm, idxv, rows, sem):
    w = _wid()
    base = w * GW
    pltpu.sync_copy(perm_hbm.at[pl.ds(base, GW)], idxv)
    for q in range(GW // 80):
        pltpu.async_copy(
            src_hbm.at[idxv.at[pl.ds(q * 80, 80)]],
            rows.at[pl.ds(q * 80, 80), :], sem).wait()
    pltpu.sync_copy(rows, out_hbm.at[pl.ds(base, GW), :])


def kernel(x, edge_index, W0, b0, W1, b1, W2, b2, p_pool):
    f32 = jnp.float32
    dst = edge_index[1]
    src = edge_index[0]

    bd = _k1_build(dst, src).reshape(NPAD, NPAD)
    bb = _k15_cast(bd)
    cb = _k2_square(bb)
    dcf = _k3_dc(cb)

    n = NV
    di = jnp.arange(n)
    eye = di[:, None] == di[None, :]
    ah = jnp.where(eye, 2.0, cb[:n, :n].astype(f32))
    deg = ah.sum(axis=1)
    dinv = jnp.where(deg > 0, deg ** -0.5, 0.0)
    an = dinv[:, None] * ah * dinv[None, :]
    h = jax.nn.relu(an @ (x @ W0) + b0)
    score = jnp.tanh((h @ p_pool) / jnp.linalg.norm(p_pool))
    vals, perm = jax.lax.top_k(score, K)

    perm_pad = jnp.concatenate(
        [perm, jnp.full((KPAD - K,), NPAD - 1, jnp.int32)])
    vals_pad = jnp.concatenate([vals, jnp.zeros((KPAD - K,), f32)])
    s_ind, vfull = _k55_scatter(perm_pad, vals_pad)

    z0 = jnp.concatenate([s_ind[:, None], jnp.zeros((NPAD, D - 1), f32)], 1)
    w1v = _capp(cb, z0)
    w2v = _capp(cb, w1v)[:, 0]
    deg2f = w2v - dcf + 2.0
    dinv2f = jnp.where(s_ind > 0, deg2f ** -0.5, 0.0)

    hpad = jnp.pad(h, ((0, NPAD - n), (0, 0)))
    z2 = _t3(hpad, vfull, dinv2f, W1)
    u2 = _capp(cb, _capp(cb, z2))
    z3 = _t4(u2, z2, dinv2f, dcf, s_ind, W2, b1)
    u4 = _capp(cb, _capp(cb, z3))
    o_full = _t5(u4, z3, dinv2f, dcf, b2)

    o_pad = _k7_gather(o_full, perm_pad)
    out = o_pad[:K]
    batch = jnp.zeros((K,), jnp.int32)
    return out, batch

# --- scband reference (transcript-rebuilt; emitter-appended) ---
"""Pipeline reference for scband-down-net-75393855914259 (READ-ONLY COPY).

The authoritative reference and input builder live on the scoring server;
editing this copy changes nothing except your own understanding.
"""

import jax, jax.numpy as jnp
import numpy as np

N = 10000
E = 160000
D_IN = 128
D_HID = 128
D_OUT = 128
RATIO = 0.5


def setup_inputs(seed: int = 0):
    key = jax.random.key(seed)
    ks = jax.random.split(key, 8)
    x = jax.random.normal(ks[0], (N, D_IN), dtype=jnp.float32)
    rng = np.random.default_rng(0)
    edge_index = jnp.asarray(rng.integers(0, N, size=(2, E)).astype(np.int32))
    def glorot(k, shp):
        lim = float(np.sqrt(6.0 / (shp[0] + shp[1])))
        return jax.random.uniform(k, shp, minval=-lim, maxval=lim, dtype=jnp.float32)
    W0 = glorot(ks[1], (D_IN, D_HID))
    b0 = jnp.zeros((D_HID,), jnp.float32)
    W1 = glorot(ks[2], (D_HID, D_HID))
    b1 = jnp.zeros((D_HID,), jnp.float32)
    W2 = glorot(ks[3], (D_HID, D_OUT))
    b2 = jnp.zeros((D_OUT,), jnp.float32)
    p_pool = jax.random.uniform(ks[4], (D_HID,), minval=-0.1, maxval=0.1, dtype=jnp.float32)
    return {"x": x, "edge_index": edge_index, "W0": W0, "b0": b0, "W1": W1, "b1": b1, "W2": W2, "b2": b2, "p_pool": p_pool}


def _augment_dense_np(A):
    # augment_adj: add_self_loops(weight=1) -> sort (no-op densely) -> spspmm(A, A) -> remove_self_loops
    n = A.shape[0]
    di = jnp.arange(n)
    B = A.at[di, di].add(1.0)
    C = B @ B
    C = C.at[di, di].set(0.0)
    return C


def _gcn_conv(A, x, W, b):
    # GCNConv(improved=True): A_hat = A + 2I; deg from dst-sums; sym-normalize; out = A_norm @ (x W) + b
    n = A.shape[0]
    di = jnp.arange(n)
    Ah = A.at[di, di].add(2.0)
    deg = Ah.sum(axis=1)
    dinv = jnp.where(deg > 0, deg ** -0.5, 0.0)
    An = dinv[:, None] * Ah * dinv[None, :]
    return An @ (x @ W) + b


def _topk_pool(x, A, p, ratio):
    # TopKPooling: score = tanh(x.p/||p||); keep top ceil(ratio*N) nodes; x' = x[perm]*score[perm]; filter adj
    score = jnp.tanh((x @ p) / jnp.linalg.norm(p))
    k = int(np.ceil(ratio * x.shape[0]))
    vals, perm = jax.lax.top_k(score, k)
    xp = x[perm] * vals[:, None]
    Ap = A[perm][:, perm]
    return xp, Ap, perm


def reference(x, edge_index, W0, b0, W1, b1, W2, b2, p_pool):
    ei = edge_index
    n = x.shape[0]
    # Dense adjacency M[dst, src]; initial edge_weight = ones. Duplicate edges coalesce by add,
    # matching sort_edge_index+spspmm coalescing in torch_sparse.
    M0 = jnp.zeros((n, n), dtype=jnp.float32).at[ei[1], ei[0]].add(1.0)
    M1 = _augment_dense_np(M0)   # augment_adj before first conv
    M2 = _augment_dense_np(M1)   # augment_adj inside depth loop (before pooling)
    A1 = M1
    A2 = M2
    h = jax.nn.relu(_gcn_conv(A1, x, W0, b0))
    # dropout(p=0.5) is identity in eval mode
    h, Ap, perm = _topk_pool(h, A2, p_pool, RATIO)
    h = jax.nn.relu(_gcn_conv(Ap, h, W1, b1))
    out = _gcn_conv(Ap, h, W2, b2)
    batch = jnp.zeros((out.shape[0],), dtype=jnp.int32)
    return out, batch

if __name__ == "__main__":
    import jax
    _d = setup_inputs()
    print(jax.jit(kernel)(*tuple(_d.values())))

</pallas_src>

<mosaic_0001>
#map = affine_map<(d0, d1) -> (0)>
module attributes {stable_mosaic.version = 14 : i64} {
  func.func @_k1_build(%arg0: i32, %arg1: i32, %arg2: memref<160000xi32, #tpu.memory_space<hbm>>, %arg3: memref<160000xi32, #tpu.memory_space<hbm>>, %arg4: memref<104857600xf32, #tpu.memory_space<hbm>>, %arg5: memref<81920xf32, #tpu.memory_space<vmem>>, %arg6: memref<4000xi32, #tpu.memory_space<vmem>>, %arg7: memref<4000xi32, #tpu.memory_space<vmem>>) attributes {dimension_semantics = [#tpu.dimension_semantics<core_parallel>, #tpu.dimension_semantics<subcore_parallel>], iteration_bounds = array<i64: 2, 16>, scalar_prefetch = 0 : i64, scratch_operands = 3 : i64, tpu.core_type = #tpu.core_type<sc_vector_subcore>, window_params = [{transform_indices = #map}, {transform_indices = #map}, {transform_indices = #map}]} {
    %mul3A = arith.constant 2 : i32
    %mul3A_0 = arith.muli %arg1, %mul3A : i32
    %add3A = arith.addi %mul3A_0, %arg0 : i32
    %broadcast_in_dim3A = arith.constant 0.000000e+00 : f32
    %broadcast_in_dim3A_1 = vector.broadcast %broadcast_in_dim3A : f32 to vector<16xf32>
    %broadcast_in_dim3A_2 = arith.constant 1.000000e+00 : f32
    %broadcast_in_dim3A_3 = vector.broadcast %broadcast_in_dim3A_2 : f32 to vector<16xf32>
    %iota3A = tpu.iota {dimensions = array<i32: 0>} : vector<16xi32>
    %scan3A = arith.constant 0 : i32
    %scan3A_4 = arith.constant 0 : i32
    %scan3A_5 = arith.constant 40 : i32
    %scan3A_6 = arith.addi %scan3A_4, %scan3A_5 : i32
    %scan3A_7 = arith.constant 1 : i32
    %scan3A_8 = scf.for %scan3A_10 = %scan3A_4 to %scan3A_6 step %scan3A_7 iter_args(%scan3A_11 = %scan3A) -> (i32)  : i32 {
      %mul3A_12 = arith.constant 32 : i32
      %mul3A_13 = arith.muli %scan3A_10, %mul3A_12 : i32
      %add3A_14 = arith.addi %mul3A_13, %add3A : i32
      %mul3A_15 = arith.constant 8 : i32
      %mul3A_16 = arith.muli %add3A_14, %mul3A_15 : i32
      %scan3A_17 = arith.constant 0 : i32
      %scan3A_18 = arith.constant 0 : i32
      %scan3A_19 = arith.constant 5120 : i32
      %scan3A_20 = arith.addi %scan3A_18, %scan3A_19 : i32
      %scan3A_21 = arith.constant 1 : i32
      %scan3A_22 = scf.for %scan3A_87 = %scan3A_18 to %scan3A_20 step %scan3A_21 iter_args(%scan3A_88 = %scan3A_17) -> (i32)  : i32 {
        %mul3A_89 = arith.constant 16 : i32
        %mul3A_90 = arith.muli %scan3A_87, %mul3A_89 : i32
        %swap3A = arith.index_cast %mul3A_90 : i32 to index
        %swap3A_91 = tpu.vector_load %arg5[%swap3A] {strides = array<i32>} : memref<81920xf32, #tpu.memory_space<vmem>>, vector<16xf32>,
        tpu.vector_store %arg5[%swap3A], %broadcast_in_dim3A_1 {strides = array<i32>} : memref<81920xf32, #tpu.memory_space<vmem>>, vector<16xf32>,
        %scan3A_92 = arith.constant 0 : i32
        scf.yield %scan3A_92 : i32
      }
      %scan3A_23 = arith.constant 5120 : i32
      %add3A_24 = arith.constant 0 : i32
      %add3A_25 = arith.addi %mul3A_16, %add3A_24 : i32
      %lt3A = arith.constant 10000 : i32
      %lt3A_26 = arith.cmpi slt, %add3A_25, %lt3A : i32
      %convert_element_type3A = arith.extui %lt3A_26 : i1 to i32
      %cond3A = arith.constant 0 : i32
      %cond3A_27 = arith.cmpi ne, %convert_element_type3A, %cond3A : i32
      scf.if %cond3A_27 {
        %add3A_87 = arith.constant 0 : i32
        %add3A_88 = arith.addi %add3A_87, %add3A_25 : i32
        %broadcast_in_dim3A_89 = vector.broadcast %add3A_88 : i32 to vector<16xi32>
        %eq3A = arith.constant 0 : i32
        %eq3A_90 = vector.broadcast %eq3A : i32 to vector<16xi32>
        %eq3A_91 = arith.cmpi eq, %iota3A, %eq3A_90 : vector<16xi32>
        tpu.vector_store_idx %arg5[%broadcast_in_dim3A_89], %broadcast_in_dim3A_3 masked %eq3A_91 {add = true} : memref<81920xf32, #tpu.memory_space<vmem>>[vector<16xi32>], vector<16xf32>, vector<16xi1>
      } else {
      }
      %add3A_28 = arith.constant 1 : i32
      %add3A_29 = arith.addi %mul3A_16, %add3A_28 : i32
      %lt3A_30 = arith.constant 10000 : i32
      %lt3A_31 = arith.cmpi slt, %add3A_29, %lt3A_30 : i32
      %convert_element_type3A_32 = arith.extui %lt3A_31 : i1 to i32
      %cond3A_33 = arith.constant 0 : i32
      %cond3A_34 = arith.cmpi ne, %convert_element_type3A_32, %cond3A_33 : i32
      scf.if %cond3A_34 {
        %add3A_87 = arith.constant 10240 : i32
        %add3A_88 = arith.addi %add3A_87, %add3A_29 : i32
        %broadcast_in_dim3A_89 = vector.broadcast %add3A_88 : i32 to vector<16xi32>
        %eq3A = arith.constant 0 : i32
        %eq3A_90 = vector.broadcast %eq3A : i32 to vector<16xi32>
        %eq3A_91 = arith.cmpi eq, %iota3A, %eq3A_90 : vector<16xi32>
        tpu.vector_store_idx %arg5[%broadcast_in_dim3A_89], %broadcast_in_dim3A_3 masked %eq3A_91 {add = true} : memref<81920xf32, #tpu.memory_space<vmem>>[vector<16xi32>], vector<16xf32>, vector<16xi1>
      } else {
      }
      %add3A_35 = arith.constant 2 : i32
      %add3A_36 = arith.addi %mul3A_16, %add3A_35 : i32
      %lt3A_37 = arith.constant 10000 : i32
      %lt3A_38 = arith.cmpi slt, %add3A_36, %lt3A_37 : i32
      %convert_element_type3A_39 = arith.extui %lt3A_38 : i1 to i32
      %cond3A_40 = arith.constant 0 : i32
      %cond3A_41 = arith.cmpi ne, %convert_element_type3A_39, %cond3A_40 : i32
      scf.if %cond3A_41 {
        %add3A_87 = arith.constant 20480 : i32
        %add3A_88 = arith.addi %add3A_87, %add3A_36 : i32
        %broadcast_in_dim3A_89 = vector.broadcast %add3A_88 : i32 to vector<16xi32>
        %eq3A = arith.constant 0 : i32
        %eq3A_90 = vector.broadcast %eq3A : i32 to vector<16xi32>
        %eq3A_91 = arith.cmpi eq, %iota3A, %eq3A_90 : vector<16xi32>
        tpu.vector_store_idx %arg5[%broadcast_in_dim3A_89], %broadcast_in_dim3A_3 masked %eq3A_91 {add = true} : memref<81920xf32, #tpu.memory_space<vmem>>[vector<16xi32>], vector<16xf32>, vector<16xi1>
      } else {
      }
      %add3A_42 = arith.constant 3 : i32
      %add3A_43 = arith.addi %mul3A_16, %add3A_42 : i32
      %lt3A_44 = arith.constant 10000 : i32
      %lt3A_45 = arith.cmpi slt, %add3A_43, %lt3A_44 : i32
      %convert_element_type3A_46 = arith.extui %lt3A_45 : i1 to i32
      %cond3A_47 = arith.constant 0 : i32
      %cond3A_48 = arith.cmpi ne, %convert_element_type3A_46, %cond3A_47 : i32
      scf.if %cond3A_48 {
        %add3A_87 = arith.constant 30720 : i32
        %add3A_88 = arith.addi %add3A_87, %add3A_43 : i32
        %broadcast_in_dim3A_89 = vector.broadcast %add3A_88 : i32 to vector<16xi32>
        %eq3A = arith.constant 0 : i32
        %eq3A_90 = vector.broadcast %eq3A : i32 to vector<16xi32>
        %eq3A_91 = arith.cmpi eq, %iota3A, %eq3A_90 : vector<16xi32>
        tpu.vector_store_idx %arg5[%broadcast_in_dim3A_89], %broadcast_in_dim3A_3 masked %eq3A_91 {add = true} : memref<81920xf32, #tpu.memory_space<vmem>>[vector<16xi32>], vector<16xf32>, vector<16xi1>
      } else {
      }
      %add3A_49 = arith.constant 4 : i32
      %add3A_50 = arith.addi %mul3A_16, %add3A_49 : i32
      %lt3A_51 = arith.constant 10000 : i32
      %lt3A_52 = arith.cmpi slt, %add3A_50, %lt3A_51 : i32
      %convert_element_type3A_53 = arith.extui %lt3A_52 : i1 to i32
      %cond3A_54 = arith.constant 0 : i32
      %cond3A_55 = arith.cmpi ne, %convert_element_type3A_53, %cond3A_54 : i32
      scf.if %cond3A_55 {
        %add3A_87 = arith.constant 40960 : i32
        %add3A_88 = arith.addi %add3A_87, %add3A_50 : i32
        %broadcast_in_dim3A_89 = vector.broadcast %add3A_88 : i32 to vector<16xi32>
        %eq3A = arith.constant 0 : i32
        %eq3A_90 = vector.broadcast %eq3A : i32 to vector<16xi32>
        %eq3A_91 = arith.cmpi eq, %iota3A, %eq3A_90 : vector<16xi32>
        tpu.vector_store_idx %arg5[%broadcast_in_dim3A_89], %broadcast_in_dim3A_3 masked %eq3A_91 {add = true} : memref<81920xf32, #tpu.memory_space<vmem>>[vector<16xi32>], vector<16xf32>, vector<16xi1>
      } else {
      }
      %add3A_56 = arith.constant 5 : i32
      %add3A_57 = arith.addi %mul3A_16, %add3A_56 : i32
      %lt3A_58 = arith.constant 10000 : i32
      %lt3A_59 = arith.cmpi slt, %add3A_57, %lt3A_58 : i32
      %convert_element_type3A_60 = arith.extui %lt3A_59 : i1 to i32
      %cond3A_61 = arith.constant 0 : i32
      %cond3A_62 = arith.cmpi ne, %convert_element_type3A_60, %cond3A_61 : i32
      scf.if %cond3A_62 {
        %add3A_87 = arith.constant 51200 : i32
        %add3A_88 = arith.addi %add3A_87, %add3A_57 : i32
        %broadcast_in_dim3A_89 = vector.broadcast %add3A_88 : i32 to vector<16xi32>
        %eq3A = arith.constant 0 : i32
        %eq3A_90 = vector.broadcast %eq3A : i32 to vector<16xi32>
        %eq3A_91 = arith.cmpi eq, %iota3A, %eq3A_90 : vector<16xi32>
        tpu.vector_store_idx %arg5[%broadcast_in_dim3A_89], %broadcast_in_dim3A_3 masked %eq3A_91 {add = true} : memref<81920xf32, #tpu.memory_space<vmem>>[vector<16xi32>], vector<16xf32>, vector<16xi1>
      } else {
      }
      %add3A_63 = arith.constant 6 : i32
      %add3A_64 = arith.addi %mul3A_16, %add3A_63 : i32
      %lt3A_65 = arith.constant 10000 : i32
      %lt3A_66 = arith.cmpi slt, %add3A_64, %lt3A_65 : i32
      %convert_element_type3A_67 = arith.extui %lt3A_66 : i1 to i32
      %cond3A_68 = arith.constant 0 : i32
      %cond3A_69 = arith.cmpi ne, %convert_element_type3A_67, %cond3A_68 : i32
      scf.if %cond3A_69 {
        %add3A_87 = arith.constant 61440 : i32
        %add3A_88 = arith.addi %add3A_87, %add3A_64 : i32
        %broadcast_in_dim3A_89 = vector.broadcast %add3A_88 : i32 to vector<16xi32>
        %eq3A = arith.constant 0 : i32
        %eq3A_90 = vector.broadcast %eq3A : i32 to vector<16xi32>
        %eq3A_91 = arith.cmpi eq, %iota3A, %eq3A_90 : vector<16xi32>
        tpu.vector_store_idx %arg5[%broadcast_in_dim3A_89], %broadcast_in_dim3A_3 masked %eq3A_91 {add = true} : memref<81920xf32, #tpu.memory_space<vmem>>[vector<16xi32>], vector<16xf32>, vector<16xi1>
      } else {
      }
      %add3A_70 = arith.constant 7 : i32
      %add3A_71 = arith.addi %mul3A_16, %add3A_70 : i32
      %lt3A_72 = arith.constant 10000 : i32
      %lt3A_73 = arith.cmpi slt, %add3A_71, %lt3A_72 : i32
      %convert_element_type3A_74 = arith.extui %lt3A_73 : i1 to i32
      %cond3A_75 = arith.constant 0 : i32
      %cond3A_76 = arith.cmpi ne, %convert_element_type3A_74, %cond3A_75 : i32
      scf.if %cond3A_76 {
        %add3A_87 = arith.constant 71680 : i32
        %add3A_88 = arith.addi %add3A_87, %add3A_71 : i32
        %broadcast_in_dim3A_89 = vector.broadcast %add3A_88 : i32 to vector<16xi32>
        %eq3A = arith.constant 0 : i32
        %eq3A_90 = vector.broadcast %eq3A : i32 to vector<16xi32>
        %eq3A_91 = arith.cmpi eq, %iota3A, %eq3A_90 : vector<16xi32>
        tpu.vector_store_idx %arg5[%broadcast_in_dim3A_89], %broadcast_in_dim3A_3 masked %eq3A_91 {add = true} : memref<81920xf32, #tpu.memory_space<vmem>>[vector<16xi32>], vector<16xf32>, vector<16xi1>
      } else {
      }
      %scan3A_77 = arith.constant 0 : i32
      %scan3A_78 = arith.constant 0 : i32
      %scan3A_79 = arith.constant 40 : i32
      %scan3A_80 = arith.addi %scan3A_78, %scan3A_79 : i32
      %scan3A_81 = arith.constant 1 : i32
      %scan3A_82 = scf.for %scan3A_87 = %scan3A_78 to %scan3A_80 step %scan3A_81 iter_args(%scan3A_88 = %scan3A_77) -> (i32)  : i32 {
        %mul3A_89 = arith.constant 4000 : i32
        %mul3A_90 = arith.muli %scan3A_87, %mul3A_89 : i32
        "tpu.region"() ({
          %run_scoped3A = tpu.sem_alloc : memref<!tpu.dma_semaphore, #tpu.memory_space<semaphore_mem>>
          %dma_start3A = tpu.memref_slice %arg2[%mul3A_90] : memref<160000xi32, #tpu.memory_space<hbm>> -> memref<4000xi32, #tpu.memory_space<hbm>>
          %dma_start3A_101 = tpu.memref_slice %arg2[%mul3A_90] : memref<160000xi32, #tpu.memory_space<hbm>> -> memref<4000xi32, #tpu.memory_space<hbm>>
          tpu.enqueue_dma source(%dma_start3A_101 : memref<4000xi32, #tpu.memory_space<hbm>>) target(%arg6 : memref<4000xi32, #tpu.memory_space<vmem>>) target_semaphore(%run_scoped3A : memref<!tpu.dma_semaphore, #tpu.memory_space<semaphore_mem>>)
          %dma_wait3A = tpu.memref_slice %arg2[%mul3A_90] : memref<160000xi32, #tpu.memory_space<hbm>> -> memref<4000xi32, #tpu.memory_space<hbm>>
          %dma_wait3A_102 = tpu.memref_slice %arg2[%mul3A_90] : memref<160000xi32, #tpu.memory_space<hbm>> -> memref<4000xi32, #tpu.memory_space<hbm>>
          tpu.wait_dma2 semaphore(%run_scoped3A : memref<!tpu.dma_semaphore, #tpu.memory_space<semaphore_mem>>) src(%dma_wait3A_102 : memref<4000xi32, #tpu.memory_space<hbm>>) dst(%arg6 : memref<4000xi32, #tpu.memory_space<vmem>>)
          tpu.yield
        }) : () -> ()
        %mul3A_91 = arith.constant 4000 : i32
        %mul3A_92 = arith.muli %scan3A_87, %mul3A_91 : i32
        "tpu.region"() ({
          %run_scoped3A = tpu.sem_alloc : memref<!tpu.dma_semaphore, #tpu.memory_space<semaphore_mem>>
          %dma_start3A = tpu.memref_slice %arg3[%mul3A_92] : memref<160000xi32, #tpu.memory_space<hbm>> -> memref<4000xi32, #tpu.memory_space<hbm>>
          %dma_start3A_101 = tpu.memref_slice %arg3[%mul3A_92] : memref<160000xi32, #tpu.memory_space<hbm>> -> memref<4000xi32, #tpu.memory_space<hbm>>
          tpu.enqueue_dma source(%dma_start3A_101 : memref<4000xi32, #tpu.memory_space<hbm>>) target(%arg7 : memref<4000xi32, #tpu.memory_space<vmem>>) target_semaphore(%run_scoped3A : memref<!tpu.dma_semaphore, #tpu.memory_space<semaphore_mem>>)
          %dma_wait3A = tpu.memref_slice %arg3[%mul3A_92] : memref<160000xi32, #tpu.memory_space<hbm>> -> memref<4000xi32, #tpu.memory_space<hbm>>
          %dma_wait3A_102 = tpu.memref_slice %arg3[%mul3A_92] : memref<160000xi32, #tpu.memory_space<hbm>> -> memref<4000xi32, #tpu.memory_space<hbm>>
          tpu.wait_dma2 semaphore(%run_scoped3A : memref<!tpu.dma_semaphore, #tpu.memory_space<semaphore_mem>>) src(%dma_wait3A_102 : memref<4000xi32, #tpu.memory_space<hbm>>) dst(%arg7 : memref<4000xi32, #tpu.memory_space<vmem>>)
          tpu.yield
        }) : () -> ()
        %scan3A_93 = arith.constant 0 : i32
        %scan3A_94 = arith.constant 0 : i32
        %scan3A_95 = arith.constant 250 : i32
        %scan3A_96 = arith.addi %scan3A_94, %scan3A_95 : i32
        %scan3A_97 = arith.constant 1 : i32
        %scan3A_98 = scf.for %scan3A_101 = %scan3A_94 to %scan3A_96 step %scan3A_97 iter_args(%scan3A_102 = %scan3A_93) -> (i32)  : i32 {
          %mul3A_103 = arith.constant 16 : i32
          %mul3A_104 = arith.muli %scan3A_101, %mul3A_103 : i32
          %get3A = arith.index_cast %mul3A_104 : i32 to index
          %get3A_105 = tpu.vector_load %arg6[%get3A] {strides = array<i32>} : memref<4000xi32, #tpu.memory_space<vmem>>, vector<16xi32>,
          %mul3A_106 = arith.constant 16 : i32
          %mul3A_107 = arith.muli %scan3A_101, %mul3A_106 : i32
          %get3A_108 = arith.index_cast %mul3A_107 : i32 to index
          %get3A_109 = tpu.vector_load %arg7[%get3A_108] {strides = array<i32>} : memref<4000xi32, #tpu.memory_space<vmem>>, vector<16xi32>,
          %sub3A = vector.broadcast %mul3A_16 : i32 to vector<16xi32>
          %sub3A_110 = arith.subi %get3A_105, %sub3A : vector<16xi32>
          %ge3A = arith.constant 0 : i32
          %ge3A_111 = vector.broadcast %ge3A : i32 to vector<16xi32>
          %ge3A_112 = arith.cmpi sge, %sub3A_110, %ge3A_111 : vector<16xi32>
          %lt3A_113 = arith.constant 8 : i32
          %lt3A_114 = vector.broadcast %lt3A_113 : i32 to vector<16xi32>
          %lt3A_115 = arith.cmpi slt, %sub3A_110, %lt3A_114 : vector<16xi32>
          %and3A = arith.andi %ge3A_112, %lt3A_115 : vector<16xi1>
          %mul3A_116 = arith.constant 10240 : i32
          %mul3A_117 = vector.broadcast %mul3A_116 : i32 to vector<16xi32>
          %mul3A_118 = arith.muli %sub3A_110, %mul3A_117 : vector<16xi32>
          %add3A_119 = arith.addi %mul3A_118, %get3A_109 : vector<16xi32>
          %jit3A = arith.constant 0 : i32
          %broadcast_in_dim3A_120 = vector.broadcast %jit3A : i32 to vector<16xi32>
          %select_n3A = arith.select %and3A, %add3A_119, %broadcast_in_dim3A_120 : vector<16xi1>, vector<16xi32>
          tpu.vector_store_idx %arg5[%select_n3A], %broadcast_in_dim3A_3 masked %and3A {add = true} : memref<81920xf32, #tpu.memory_space<vmem>>[vector<16xi32>], vector<16xf32>, vector<16xi1>
          %scan3A_121 = arith.constant 0 : i32
          scf.yield %scan3A_121 : i32
        }
        %scan3A_99 = arith.constant 250 : i32
        %scan3A_100 = arith.constant 0 : i32
        scf.yield %scan3A_100 : i32
      }
      %scan3A_83 = arith.constant 40 : i32
      %mul3A_84 = arith.constant 10240 : i32
      %mul3A_85 = arith.muli %mul3A_16, %mul3A_84 : i32
      "tpu.region"() ({
        %run_scoped3A = tpu.sem_alloc : memref<!tpu.dma_semaphore, #tpu.memory_space<semaphore_mem>>
        %dma_start3A = tpu.memref_slice %arg4[%mul3A_85] : memref<104857600xf32, #tpu.memory_space<hbm>> -> memref<81920xf32, #tpu.memory_space<hbm>>
        %dma_start3A_87 = tpu.memref_slice %arg4[%mul3A_85] : memref<104857600xf32, #tpu.memory_space<hbm>> -> memref<81920xf32, #tpu.memory_space<hbm>>
        tpu.enqueue_dma source(%arg5 : memref<81920xf32, #tpu.memory_space<vmem>>) target(%dma_start3A_87 : memref<81920xf32, #tpu.memory_space<hbm>>) target_semaphore(%run_scoped3A : memref<!tpu.dma_semaphore, #tpu.memory_space<semaphore_mem>>)
        %dma_wait3A = tpu.memref_slice %arg4[%mul3A_85] : memref<104857600xf32, #tpu.memory_space<hbm>> -> memref<81920xf32, #tpu.memory_space<hbm>>
        %dma_wait3A_88 = tpu.memref_slice %arg4[%mul3A_85] : memref<104857600xf32, #tpu.memory_space<hbm>> -> memref<81920xf32, #tpu.memory_space<hbm>>
        tpu.wait_dma2 semaphore(%run_scoped3A : memref<!tpu.dma_semaphore, #tpu.memory_space<semaphore_mem>>) src(%arg5 : memref<81920xf32, #tpu.memory_space<vmem>>) dst(%dma_wait3A_88 : memref<81920xf32, #tpu.memory_space<hbm>>)
        tpu.yield
      }) : () -> ()
      %scan3A_86 = arith.constant 0 : i32
      scf.yield %scan3A_86 : i32
    }
    %scan3A_9 = arith.constant 40 : i32
    return
  }
}

#map = affine_map<(d0, d1) -> (0, 0)>
#map1 = affine_map<(d0, d1) -> (0)>
module attributes {stable_mosaic.version = 14 : i64} {
  func.func @_k7_gather(%arg0: i32, %arg1: i32, %arg2: memref<10240x128xf32, #tpu.memory_space<hbm>>, %arg3: memref<5120xi32, #tpu.memory_space<hbm>>, %arg4: memref<5120x128xf32, #tpu.memory_space<hbm>>, %arg5: memref<160xi32, #tpu.memory_space<vmem>>, %arg6: memref<160x128xf32, #tpu.memory_space<vmem>>, %arg7: memref<!tpu.dma_semaphore, #tpu.memory_space<semaphore_mem>>) attributes {dimension_semantics = [#tpu.dimension_semantics<core_parallel>, #tpu.dimension_semantics<subcore_parallel>], iteration_bounds = array<i64: 2, 16>, scalar_prefetch = 0 : i64, scratch_operands = 3 : i64, tpu.core_type = #tpu.core_type<sc_vector_subcore>, window_params = [{transform_indices = #map}, {transform_indices = #map1}, {transform_indices = #map}]} {
    %mul3A = arith.constant 2 : i32
    %mul3A_0 = arith.muli %arg1, %mul3A : i32
    %add3A = arith.addi %mul3A_0, %arg0 : i32
    %mul3A_1 = arith.constant 160 : i32
    %mul3A_2 = arith.muli %add3A, %mul3A_1 : i32
    "tpu.region"() ({
      %run_scoped3A = tpu.sem_alloc : memref<!tpu.dma_semaphore, #tpu.memory_space<semaphore_mem>>
      %dma_start3A_33 = tpu.memref_slice %arg3[%mul3A_2] : memref<5120xi32, #tpu.memory_space<hbm>> -> memref<160xi32, #tpu.memory_space<hbm>>
      %dma_start3A_34 = tpu.memref_slice %arg3[%mul3A_2] : memref<5120xi32, #tpu.memory_space<hbm>> -> memref<160xi32, #tpu.memory_space<hbm>>
      tpu.enqueue_dma source(%dma_start3A_34 : memref<160xi32, #tpu.memory_space<hbm>>) target(%arg5 : memref<160xi32, #tpu.memory_space<vmem>>) target_semaphore(%run_scoped3A : memref<!tpu.dma_semaphore, #tpu.memory_space<semaphore_mem>>)
      %dma_wait3A_35 = tpu.memref_slice %arg3[%mul3A_2] : memref<5120xi32, #tpu.memory_space<hbm>> -> memref<160xi32, #tpu.memory_space<hbm>>
      %dma_wait3A_36 = tpu.memref_slice %arg3[%mul3A_2] : memref<5120xi32, #tpu.memory_space<hbm>> -> memref<160xi32, #tpu.memory_space<hbm>>
      tpu.wait_dma2 semaphore(%run_scoped3A : memref<!tpu.dma_semaphore, #tpu.memory_space<semaphore_mem>>) src(%dma_wait3A_36 : memref<160xi32, #tpu.memory_space<hbm>>) dst(%arg5 : memref<160xi32, #tpu.memory_space<vmem>>)
      tpu.yield
    }) : () -> ()
    %dma_start3A = arith.constant 0 : i32
    %dma_start3A_3 = arith.constant 0 : i32
    %dma_start3A_4 = tpu.memref_slice %arg6[%dma_start3A, %dma_start3A_3] : memref<160x128xf32, #tpu.memory_space<vmem>> -> memref<80x128xf32, #tpu.memory_space<vmem>>
    %dma_start3A_5 = arith.constant 0 : i32
    %dma_start3A_6 = tpu.memref_slice %arg5[%dma_start3A_5] : memref<160xi32, #tpu.memory_space<vmem>> -> memref<80xi32, #tpu.memory_space<vmem>>
    %dma_start3A_7 = arith.constant 0 : i32
    %dma_start3A_8 = arith.constant 0 : i32
    %dma_start3A_9 = tpu.memref_slice %arg2[%dma_start3A_7, %dma_start3A_8] : memref<10240x128xf32, #tpu.memory_space<hbm>> -> memref<10240x128xf32, #tpu.memory_space<hbm>>
    tpu.enqueue_indirect_dma source(%dma_start3A_9 : memref<10240x128xf32, #tpu.memory_space<hbm>>) target(%dma_start3A_4 : memref<80x128xf32, #tpu.memory_space<vmem>>) offsets(%dma_start3A_6 : memref<80xi32, #tpu.memory_space<vmem>>) semaphore(%arg7 : memref<!tpu.dma_semaphore, #tpu.memory_space<semaphore_mem>>)
    %dma_wait3A = arith.constant 0 : i32
    %dma_wait3A_10 = arith.constant 0 : i32
    %dma_wait3A_11 = tpu.memref_slice %arg6[%dma_wait3A, %dma_wait3A_10] : memref<160x128xf32, #tpu.memory_space<vmem>> -> memref<80x128xf32, #tpu.memory_space<vmem>>
    %dma_wait3A_12 = arith.constant 0 : i32
    %dma_wait3A_13 = tpu.memref_slice %arg5[%dma_wait3A_12] : memref<160xi32, #tpu.memory_space<vmem>> -> memref<80xi32, #tpu.memory_space<vmem>>
    %dma_wait3A_14 = arith.constant 0 : i32
    %dma_wait3A_15 = arith.constant 0 : i32
    %dma_wait3A_16 = tpu.memref_slice %arg2[%dma_wait3A_14, %dma_wait3A_15] : memref<10240x128xf32, #tpu.memory_space<hbm>> -> memref<10240x128xf32, #tpu.memory_space<hbm>>
    tpu.wait_indirect_dma semaphore(%arg7 : memref<!tpu.dma_semaphore, #tpu.memory_space<semaphore_mem>>) src(%dma_wait3A_16 : memref<10240x128xf32, #tpu.memory_space<hbm>>) dst(%dma_wait3A_11 : memref<80x128xf32, #tpu.memory_space<vmem>>)
    %dma_start3A_17 = arith.constant 80 : i32
    %dma_start3A_18 = arith.constant 0 : i32
    %dma_start3A_19 = tpu.memref_slice %arg6[%dma_start3A_17, %dma_start3A_18] : memref<160x128xf32, #tpu.memory_space<vmem>> -> memref<80x128xf32, #tpu.memory_space<vmem>>
    %dma_start3A_20 = arith.constant 80 : i32
    %dma_start3A_21 = tpu.memref_slice %arg5[%dma_start3A_20] : memref<160xi32, #tpu.memory_space<vmem>> -> memref<80xi32, #tpu.memory_space<vmem>>
    %dma_start3A_22 = arith.constant 0 : i32
    %dma_start3A_23 = arith.constant 0 : i32
    %dma_start3A_24 = tpu.memref_slice %arg2[%dma_start3A_22, %dma_start3A_23] : memref<10240x128xf32, #tpu.memory_space<hbm>> -> memref<10240x128xf32, #tpu.memory_space<hbm>>
    tpu.enqueue_indirect_dma source(%dma_start3A_24 : memref<10240x128xf32, #tpu.memory_space<hbm>>) target(%dma_start3A_19 : memref<80x128xf32, #tpu.memory_space<vmem>>) offsets(%dma_start3A_21 : memref<80xi32, #tpu.memory_space<vmem>>) semaphore(%arg7 : memref<!tpu.dma_semaphore, #tpu.memory_space<semaphore_mem>>)
    %dma_wait3A_25 = arith.constant 80 : i32
    %dma_wait3A_26 = arith.constant 0 : i32
    %dma_wait3A_27 = tpu.memref_slice %arg6[%dma_wait3A_25, %dma_wait3A_26] : memref<160x128xf32, #tpu.memory_space<vmem>> -> memref<80x128xf32, #tpu.memory_space<vmem>>
    %dma_wait3A_28 = arith.constant 80 : i32
    %dma_wait3A_29 = tpu.memref_slice %arg5[%dma_wait3A_28] : memref<160xi32, #tpu.memory_space<vmem>> -> memref<80xi32, #tpu.memory_space<vmem>>
    %dma_wait3A_30 = arith.constant 0 : i32
    %dma_wait3A_31 = arith.constant 0 : i32
    %dma_wait3A_32 = tpu.memref_slice %arg2[%dma_wait3A_30, %dma_wait3A_31] : memref<10240x128xf32, #tpu.memory_space<hbm>> -> memref<10240x128xf32, #tpu.memory_space<hbm>>
    tpu.wait_indirect_dma semaphore(%arg7 : memref<!tpu.dma_semaphore, #tpu.memory_space<semaphore_mem>>) src(%dma_wait3A_32 : memref<10240x128xf32, #tpu.memory_space<hbm>>) dst(%dma_wait3A_27 : memref<80x128xf32, #tpu.memory_space<vmem>>)
    "tpu.region"() ({
      %run_scoped3A = tpu.sem_alloc : memref<!tpu.dma_semaphore, #tpu.memory_space<semaphore_mem>>
      %dma_start3A_33 = arith.constant 0 : i32
      %dma_start3A_34 = tpu.memref_slice %arg4[%mul3A_2, %dma_start3A_33] : memref<5120x128xf32, #tpu.memory_space<hbm>> -> memref<160x128xf32, #tpu.memory_space<hbm>>
      %dma_start3A_35 = arith.constant 0 : i32
      %dma_start3A_36 = tpu.memref_slice %arg4[%mul3A_2, %dma_start3A_35] : memref<5120x128xf32, #tpu.memory_space<hbm>> -> memref<160x128xf32, #tpu.memory_space<hbm>>
      tpu.enqueue_dma source(%arg6 : memref<160x128xf32, #tpu.memory_space<vmem>>) target(%dma_start3A_36 : memref<160x128xf32, #tpu.memory_space<hbm>>) target_semaphore(%run_scoped3A : memref<!tpu.dma_semaphore, #tpu.memory_space<semaphore_mem>>)
      %dma_wait3A_37 = arith.constant 0 : i32
      %dma_wait3A_38 = tpu.memref_slice %arg4[%mul3A_2, %dma_wait3A_37] : memref<5120x128xf32, #tpu.memory_space<hbm>> -> memref<160x128xf32, #tpu.memory_space<hbm>>
      %dma_wait3A_39 = arith.constant 0 : i32
      %dma_wait3A_40 = tpu.memref_slice %arg4[%mul3A_2, %dma_wait3A_39] : memref<5120x128xf32, #tpu.memory_space<hbm>> -> memref<160x128xf32, #tpu.memory_space<hbm>>
      tpu.wait_dma2 semaphore(%run_scoped3A : memref<!tpu.dma_semaphore, #tpu.memory_space<semaphore_mem>>) src(%arg6 : memref<160x128xf32, #tpu.memory_space<vmem>>) dst(%dma_wait3A_40 : memref<160x128xf32, #tpu.memory_space<hbm>>)
      tpu.yield
    }) : () -> ()
    return
  }
}

#map = affine_map<(d0, d1) -> (0)>
module attributes {stable_mosaic.version = 14 : i64} {
  func.func @_k55_scatter(%arg0: i32, %arg1: i32, %arg2: memref<5120xi32, #tpu.memory_space<hbm>>, %arg3: memref<5120xf32, #tpu.memory_space<hbm>>, %arg4: memref<10240xf32, #tpu.memory_space<hbm>>, %arg5: memref<10240xf32, #tpu.memory_space<hbm>>, %arg6: memref<5120xi32, #tpu.memory_space<vmem>>, %arg7: memref<5120xf32, #tpu.memory_space<vmem>>, %arg8: memref<10240xf32, #tpu.memory_space<vmem>>, %arg9: memref<10240xf32, #tpu.memory_space<vmem>>) attributes {dimension_semantics = [#tpu.dimension_semantics<core_parallel>, #tpu.dimension_semantics<subcore_parallel>], iteration_bounds = array<i64: 2, 16>, scalar_prefetch = 0 : i64, scratch_operands = 4 : i64, tpu.core_type = #tpu.core_type<sc_vector_subcore>, window_params = [{transform_indices = #map}, {transform_indices = #map}, {transform_indices = #map}, {transform_indices = #map}]} {
    %mul3A = arith.constant 2 : i32
    %mul3A_0 = arith.muli %arg1, %mul3A : i32
    %add3A = arith.addi %mul3A_0, %arg0 : i32
    %eq3A = arith.constant 0 : i32
    %eq3A_1 = arith.cmpi eq, %add3A, %eq3A : i32
    %convert_element_type3A = arith.extui %eq3A_1 : i1 to i32
    %cond3A = arith.constant 0 : i32
    %cond3A_2 = arith.cmpi ne, %convert_element_type3A, %cond3A : i32
    scf.if %cond3A_2 {
      %broadcast_in_dim3A = arith.constant 0.000000e+00 : f32
      %broadcast_in_dim3A_3 = vector.broadcast %broadcast_in_dim3A : f32 to vector<16xf32>
      %broadcast_in_dim3A_4 = arith.constant 1.000000e+00 : f32
      %broadcast_in_dim3A_5 = vector.broadcast %broadcast_in_dim3A_4 : f32 to vector<16xf32>
      "tpu.region"() ({
        %run_scoped3A = tpu.sem_alloc : memref<!tpu.dma_semaphore, #tpu.memory_space<semaphore_mem>>
        tpu.enqueue_dma source(%arg2 : memref<5120xi32, #tpu.memory_space<hbm>>) target(%arg6 : memref<5120xi32, #tpu.memory_space<vmem>>) target_semaphore(%run_scoped3A : memref<!tpu.dma_semaphore, #tpu.memory_space<semaphore_mem>>)
        tpu.wait_dma2 semaphore(%run_scoped3A : memref<!tpu.dma_semaphore, #tpu.memory_space<semaphore_mem>>) src(%arg2 : memref<5120xi32, #tpu.memory_space<hbm>>) dst(%arg6 : memref<5120xi32, #tpu.memory_space<vmem>>)
        tpu.yield
      }) : () -> ()
      "tpu.region"() ({
        %run_scoped3A = tpu.sem_alloc : memref<!tpu.dma_semaphore, #tpu.memory_space<semaphore_mem>>
        tpu.enqueue_dma source(%arg3 : memref<5120xf32, #tpu.memory_space<hbm>>) target(%arg7 : memref<5120xf32, #tpu.memory_space<vmem>>) target_semaphore(%run_scoped3A : memref<!tpu.dma_semaphore, #tpu.memory_space<semaphore_mem>>)
        tpu.wait_dma2 semaphore(%run_scoped3A : memref<!tpu.dma_semaphore, #tpu.memory_space<semaphore_mem>>) src(%arg3 : memref<5120xf32, #tpu.memory_space<hbm>>) dst(%arg7 : memref<5120xf32, #tpu.memory_space<vmem>>)
        tpu.yield
      }) : () -> ()
      %scan3A = arith.constant 0 : i32
      %scan3A_6 = arith.constant 0 : i32
      %scan3A_7 = arith.constant 640 : i32
      %scan3A_8 = arith.addi %scan3A_6, %scan3A_7 : i32
      %scan3A_9 = arith.constant 1 : i32
      %scan3A_10 = scf.for %scan3A_19 = %scan3A_6 to %scan3A_8 step %scan3A_9 iter_args(%scan3A_20 = %scan3A) -> (i32)  : i32 {
        %mul3A_21 = arith.constant 16 : i32
        %mul3A_22 = arith.muli %scan3A_19, %mul3A_21 : i32
        %swap3A = arith.index_cast %mul3A_22 : i32 to index
        %swap3A_23 = tpu.vector_load %arg8[%swap3A] {strides = array<i32>} : memref<10240xf32, #tpu.memory_space<vmem>>, vector<16xf32>,
        tpu.vector_store %arg8[%swap3A], %broadcast_in_dim3A_3 {strides = array<i32>} : memref<10240xf32, #tpu.memory_space<vmem>>, vector<16xf32>,
        %mul3A_24 = arith.constant 16 : i32
        %mul3A_25 = arith.muli %scan3A_19, %mul3A_24 : i32
        %swap3A_26 = arith.index_cast %mul3A_25 : i32 to index
        %swap3A_27 = tpu.vector_load %arg9[%swap3A_26] {strides = array<i32>} : memref<10240xf32, #tpu.memory_space<vmem>>, vector<16xf32>,
        tpu.vector_store %arg9[%swap3A_26], %broadcast_in_dim3A_3 {strides = array<i32>} : memref<10240xf32, #tpu.memory_space<vmem>>, vector<16xf32>,
        %scan3A_28 = arith.constant 0 : i32
        scf.yield %scan3A_28 : i32
      }
      %scan3A_11 = arith.constant 640 : i32
      %scan3A_12 = arith.constant 0 : i32
      %scan3A_13 = arith.constant 0 : i32
      %scan3A_14 = arith.constant 320 : i32
      %scan3A_15 = arith.addi %scan3A_13, %scan3A_14 : i32
      %scan3A_16 = arith.constant 1 : i32
      %scan3A_17 = scf.for %scan3A_19 = %scan3A_13 to %scan3A_15 step %scan3A_16 iter_args(%scan3A_20 = %scan3A_12) -> (i32)  : i32 {
        %mul3A_21 = arith.constant 16 : i32
        %mul3A_22 = arith.muli %scan3A_19, %mul3A_21 : i32
        %get3A = arith.index_cast %mul3A_22 : i32 to index
        %get3A_23 = tpu.vector_load %arg6[%get3A] {strides = array<i32>} : memref<5120xi32, #tpu.memory_space<vmem>>, vector<16xi32>,
        %mul3A_24 = arith.constant 16 : i32
        %mul3A_25 = arith.muli %scan3A_19, %mul3A_24 : i32
        %get3A_26 = arith.index_cast %mul3A_25 : i32 to index
        %get3A_27 = tpu.vector_load %arg7[%get3A_26] {strides = array<i32>} : memref<5120xf32, #tpu.memory_space<vmem>>, vector<16xf32>,
        tpu.vector_store_idx %arg8[%get3A_23], %broadcast_in_dim3A_5 : memref<10240xf32, #tpu.memory_space<vmem>>[vector<16xi32>], vector<16xf32>,
        tpu.vector_store_idx %arg9[%get3A_23], %get3A_27 : memref<10240xf32, #tpu.memory_space<vmem>>[vector<16xi32>], vector<16xf32>,
        %scan3A_28 = arith.constant 0 : i32
        scf.yield %scan3A_28 : i32
      }
      %scan3A_18 = arith.constant 320 : i32
      "tpu.region"() ({
        %run_scoped3A = tpu.sem_alloc : memref<!tpu.dma_semaphore, #tpu.memory_space<semaphore_mem>>
        tpu.enqueue_dma source(%arg8 : memref<10240xf32, #tpu.memory_space<vmem>>) target(%arg4 : memref<10240xf32, #tpu.memory_space<hbm>>) target_semaphore(%run_scoped3A : memref<!tpu.dma_semaphore, #tpu.memory_space<semaphore_mem>>)
        tpu.wait_dma2 semaphore(%run_scoped3A : memref<!tpu.dma_semaphore, #tpu.memory_space<semaphore_mem>>) src(%arg8 : memref<10240xf32, #tpu.memory_space<vmem>>) dst(%arg4 : memref<10240xf32, #tpu.memory_space<hbm>>)
        tpu.yield
      }) : () -> ()
      "tpu.region"() ({
        %run_scoped3A = tpu.sem_alloc : memref<!tpu.dma_semaphore, #tpu.memory_space<semaphore_mem>>
        tpu.enqueue_dma source(%arg9 : memref<10240xf32, #tpu.memory_space<vmem>>) target(%arg5 : memref<10240xf32, #tpu.memory_space<hbm>>) target_semaphore(%run_scoped3A : memref<!tpu.dma_semaphore, #tpu.memory_space<semaphore_mem>>)
        tpu.wait_dma2 semaphore(%run_scoped3A : memref<!tpu.dma_semaphore, #tpu.memory_space<semaphore_mem>>) src(%arg9 : memref<10240xf32, #tpu.memory_space<vmem>>) dst(%arg5 : memref<10240xf32, #tpu.memory_space<hbm>>)
        tpu.yield
      }) : () -> ()
    } else {
    }
    return
  }
}

module attributes {stable_mosaic.version = 14 : i64} {
  func.func @_mm_kernel(%arg0: i32, %arg1: i32, %arg2: i32, %arg3: memref<512x512xbf16, #tpu.memory_space<vmem>>, %arg4: memref<512x512xbf16, #tpu.memory_space<vmem>>, %arg5: memref<512x512xbf16, #tpu.memory_space<vmem>>, %arg6: memref<512x512xf32, #tpu.memory_space<vmem>>) attributes {dimension_semantics = [#tpu.dimension_semantics<parallel>, #tpu.dimension_semantics<parallel>, #tpu.dimension_semantics<arbitrary>], iteration_bounds = array<i64: 20, 20, 20>, scalar_prefetch = 0 : i64, scratch_operands = 1 : i64, tpu.core_type = #tpu.core_type<tc>, window_params = [{transform_indices = @transform_0, window_bounds = array<i64: 512, 512>}, {transform_indices = @transform_1, window_bounds = array<i64: 512, 512>}, {transform_indices = @transform_2, window_bounds = array<i64: 512, 512>}]} {
    %eq3A = arith.constant 0 : i32
    %eq3A_0 = arith.cmpi eq, %arg2, %eq3A : i32
    %convert_element_type3A = arith.extui %eq3A_0 : i1 to i32
    %cond3A = arith.constant 0 : i32
    %cond3A_1 = arith.cmpi ne, %convert_element_type3A, %cond3A : i32
    scf.if %cond3A_1 {
      %broadcast_in_dim3A = arith.constant 0.000000e+00 : f32
      %broadcast_in_dim3A_18 = vector.broadcast %broadcast_in_dim3A : f32 to vector<512x512xf32>
      %swap3A_19 = arith.constant 0 : index
      %swap3A_20 = arith.constant 0 : index
      %swap3A_21 = vector.load %arg6[%swap3A_19, %swap3A_20] : memref<512x512xf32, #tpu.memory_space<vmem>>, vector<512x512xf32>
      tpu.vector_store %arg6[%swap3A_19, %swap3A_20], %broadcast_in_dim3A_18 {strides = array<i32>} : memref<512x512xf32, #tpu.memory_space<vmem>>, vector<512x512xf32>,
    } else {
    }
    %get3A = arith.constant 0 : index
    %get3A_2 = arith.constant 0 : index
    %get3A_3 = vector.load %arg6[%get3A, %get3A_2] : memref<512x512xf32, #tpu.memory_space<vmem>>, vector<512x512xf32>
    %get3A_4 = arith.constant 0 : index
    %get3A_5 = arith.constant 0 : index
    %get3A_6 = vector.load %arg3[%get3A_4, %get3A_5] : memref<512x512xbf16, #tpu.memory_space<vmem>>, vector<512x512xbf16>
    %get3A_7 = arith.constant 0 : index
    %get3A_8 = arith.constant 0 : index
    %get3A_9 = vector.load %arg4[%get3A_7, %get3A_8] : memref<512x512xbf16, #tpu.memory_space<vmem>>, vector<512x512xbf16>
    %dot_general3A = arith.constant dense<0.000000e+00> : vector<512x512xf32>
    %dot_general3A_10 = tpu.matmul %get3A_6, %get3A_9, %dot_general3A {dimension_numbers = #tpu.dot_dimension_numbers<[1], [0], [0], [1], [0, 0, 1, 1], [], []>, transpose_lhs_hint = false} : vector<512x512xbf16>, vector<512x512xbf16>, vector<512x512xf32> -> vector<512x512xf32>
    %add3A = arith.addf %get3A_3, %dot_general3A_10 : vector<512x512xf32>
    %swap3A = arith.constant 0 : index
    %swap3A_11 = arith.constant 0 : index
    %swap3A_12 = vector.load %arg6[%swap3A, %swap3A_11] : memref<512x512xf32, #tpu.memory_space<vmem>>, vector<512x512xf32>
    tpu.vector_store %arg6[%swap3A, %swap3A_11], %add3A {strides = array<i32>} : memref<512x512xf32, #tpu.memory_space<vmem>>, vector<512x512xf32>,
    %eq3A_13 = arith.constant 19 : i32
    %eq3A_14 = arith.cmpi eq, %arg2, %eq3A_13 : i32
    %convert_element_type3A_15 = arith.extui %eq3A_14 : i1 to i32
    %cond3A_16 = arith.constant 0 : i32
    %cond3A_17 = arith.cmpi ne, %convert_element_type3A_15, %cond3A_16 : i32
    scf.if %cond3A_17 {
      %get3A_18 = arith.constant 0 : index
      %get3A_19 = arith.constant 0 : index
      %get3A_20 = vector.load %arg6[%get3A_18, %get3A_19] : memref<512x512xf32, #tpu.memory_space<vmem>>, vector<512x512xf32>
      %iota3A = tpu.iota {dimensions = array<i32: 0>} : vector<512x512xi32>
      %iota3A_21 = tpu.iota {dimensions = array<i32: 1>} : vector<512x512xi32>
      %eq3A_22 = arith.cmpi eq, %iota3A, %iota3A_21 : vector<512x512xi32>
      %eq3A_23 = arith.cmpi eq, %arg0, %arg1 : i32
      %and3A = vector.broadcast %eq3A_23 : i1 to vector<512x512xi1>
      %and3A_24 = arith.andi %eq3A_22, %and3A : vector<512x512xi1>
      %jit3A = arith.constant 1.000000e+00 : f32
      %broadcast_in_dim3A = vector.broadcast %jit3A : f32 to vector<512x512xf32>
      %select_n3A = arith.select %and3A_24, %broadcast_in_dim3A, %get3A_20 : vector<512x512xi1>, vector<512x512xf32>
      %convert_element_type3A_25 = arith.truncf %select_n3A : vector<512x512xf32> to vector<512x512xbf16>
      %swap3A_26 = arith.constant 0 : index
      %swap3A_27 = arith.constant 0 : index
      %swap3A_28 = vector.load %arg5[%swap3A_26, %swap3A_27] : memref<512x512xbf16, #tpu.memory_space<vmem>>, vector<512x512xbf16>
      tpu.vector_store %arg5[%swap3A_26, %swap3A_27], %convert_element_type3A_25 {strides = array<i32>} : memref<512x512xbf16, #tpu.memory_space<vmem>>, vector<512x512xbf16>,
    } else {
    }
    return
  }
  func.func @transform_0(%arg0: i32, %arg1: i32, %arg2: i32) -> (i32, i32) {
    %c0_i32 = arith.constant 0 : i32
    return %arg0, %arg2 : i32, i32
  }
  func.func @transform_1(%arg0: i32, %arg1: i32, %arg2: i32) -> (i32, i32) {
    %c0_i32 = arith.constant 0 : i32
    return %arg2, %arg1 : i32, i32
  }
  func.func @transform_2(%arg0: i32, %arg1: i32, %arg2: i32) -> (i32, i32) {
    %c0_i32 = arith.constant 0 : i32
    return %arg0, %arg1 : i32, i32
  }
}

module attributes {stable_mosaic.version = 14 : i64} {
  func.func @_cast_kernel(%arg0: i32, %arg1: i32, %arg2: memref<512x512xf32, #tpu.memory_space<vmem>>, %arg3: memref<512x512xbf16, #tpu.memory_space<vmem>>) attributes {dimension_semantics = [#tpu.dimension_semantics<arbitrary>, #tpu.dimension_semantics<arbitrary>], iteration_bounds = array<i64: 20, 20>, scalar_prefetch = 0 : i64, scratch_operands = 0 : i64, tpu.core_type = #tpu.core_type<tc>, window_params = [{transform_indices = @transform_0, window_bounds = array<i64: 512, 512>}, {transform_indices = @transform_1, window_bounds = array<i64: 512, 512>}]} {
    %get3A = arith.constant 0 : index
    %get3A_0 = arith.constant 0 : index
    %get3A_1 = vector.load %arg2[%get3A, %get3A_0] : memref<512x512xf32, #tpu.memory_space<vmem>>, vector<512x512xf32>
    %convert_element_type3A = arith.truncf %get3A_1 : vector<512x512xf32> to vector<512x512xbf16>
    %swap3A = arith.constant 0 : index
    %swap3A_2 = arith.constant 0 : index
    %swap3A_3 = vector.load %arg3[%swap3A, %swap3A_2] : memref<512x512xbf16, #tpu.memory_space<vmem>>, vector<512x512xbf16>
    tpu.vector_store %arg3[%swap3A, %swap3A_2], %convert_element_type3A {strides = array<i32>} : memref<512x512xbf16, #tpu.memory_space<vmem>>, vector<512x512xbf16>,
    return
  }
  func.func @transform_0(%arg0: i32, %arg1: i32) -> (i32, i32) {
    %c0_i32 = arith.constant 0 : i32
    return %arg0, %arg1 : i32, i32
  }
  func.func @transform_1(%arg0: i32, %arg1: i32) -> (i32, i32) {
    %c0_i32 = arith.constant 0 : i32
    return %arg0, %arg1 : i32, i32
  }
}

module attributes {stable_mosaic.version = 14 : i64} {
  func.func @_dc_kernel(%arg0: i32, %arg1: i32, %arg2: memref<512x512xbf16, #tpu.memory_space<vmem>>, %arg3: memref<512x512xbf16, #tpu.memory_space<vmem>>, %arg4: memref<512xf32, #tpu.memory_space<vmem>>) attributes {dimension_semantics = [#tpu.dimension_semantics<parallel>, #tpu.dimension_semantics<arbitrary>], iteration_bounds = array<i64: 20, 20>, scalar_prefetch = 0 : i64, scratch_operands = 0 : i64, tpu.core_type = #tpu.core_type<tc>, window_params = [{transform_indices = @transform_0, window_bounds = array<i64: 512, 512>}, {transform_indices = @transform_1, window_bounds = array<i64: 512, 512>}, {transform_indices = @transform_2, window_bounds = array<i64: 512>}]} {
    %get3A = arith.constant 0 : index
    %get3A_0 = arith.constant 0 : index
    %get3A_1 = vector.load %arg2[%get3A, %get3A_0] : memref<512x512xbf16, #tpu.memory_space<vmem>>, vector<512x512xbf16>
    %get3A_2 = arith.constant 0 : index
    %get3A_3 = arith.constant 0 : index
    %get3A_4 = vector.load %arg3[%get3A_2, %get3A_3] : memref<512x512xbf16, #tpu.memory_space<vmem>>, vector<512x512xbf16>
    %dot_general3A = arith.constant dense<0.000000e+00> : vector<512x512xf32>
    %dot_general3A_5 = tpu.matmul %get3A_1, %get3A_4, %dot_general3A {dimension_numbers = #tpu.dot_dimension_numbers<[1], [0], [0], [1], [0, 0, 1, 1], [], []>, transpose_lhs_hint = false} : vector<512x512xbf16>, vector<512x512xbf16>, vector<512x512xf32> -> vector<512x512xf32>
    %iota3A = tpu.iota {dimensions = array<i32: 0>} : vector<512x512xi32>
    %iota3A_6 = tpu.iota {dimensions = array<i32: 1>} : vector<512x512xi32>
    %eq3A = arith.cmpi eq, %iota3A, %iota3A_6 : vector<512x512xi32>
    %jit3A = arith.constant 0.000000e+00 : f32
    %broadcast_in_dim3A = vector.broadcast %jit3A : f32 to vector<512x512xf32>
    %select_n3A = arith.select %eq3A, %dot_general3A_5, %broadcast_in_dim3A : vector<512x512xi1>, vector<512x512xf32>
    %reduce_sum3A = arith.constant dense<0.000000e+00> : vector<512xf32>
    %reduce_sum3A_7 = vector.multi_reduction <add>, %select_n3A, %reduce_sum3A [1] : vector<512x512xf32> to vector<512xf32>
    %eq3A_8 = arith.constant 0 : i32
    %eq3A_9 = arith.cmpi eq, %arg1, %eq3A_8 : i32
    %convert_element_type3A = arith.extui %eq3A_9 : i1 to i32
    %cond3A = arith.constant 0 : i32
    %cond3A_10 = arith.cmpi ne, %convert_element_type3A, %cond3A : i32
    scf.if %cond3A_10 {
      %swap3A = arith.constant 0 : index
      %swap3A_15 = vector.load %arg4[%swap3A] : memref<512xf32, #tpu.memory_space<vmem>>, vector<512xf32>
      tpu.vector_store %arg4[%swap3A], %reduce_sum3A_7 {strides = array<i32>} : memref<512xf32, #tpu.memory_space<vmem>>, vector<512xf32>,
    } else {
    }
    %ne3A = arith.constant 0 : i32
    %ne3A_11 = arith.cmpi ne, %arg1, %ne3A : i32
    %convert_element_type3A_12 = arith.extui %ne3A_11 : i1 to i32
    %cond3A_13 = arith.constant 0 : i32
    %cond3A_14 = arith.cmpi ne, %convert_element_type3A_12, %cond3A_13 : i32
    scf.if %cond3A_14 {
      %get3A_15 = arith.constant 0 : index
      %get3A_16 = vector.load %arg4[%get3A_15] : memref<512xf32, #tpu.memory_space<vmem>>, vector<512xf32>
      %add3A = arith.addf %get3A_16, %reduce_sum3A_7 : vector<512xf32>
      %swap3A = arith.constant 0 : index
      %swap3A_17 = vector.load %arg4[%swap3A] : memref<512xf32, #tpu.memory_space<vmem>>, vector<512xf32>
      tpu.vector_store %arg4[%swap3A], %add3A {strides = array<i32>} : memref<512xf32, #tpu.memory_space<vmem>>, vector<512xf32>,
    } else {
    }
    return
  }
  func.func @transform_0(%arg0: i32, %arg1: i32) -> (i32, i32) {
    %c0_i32 = arith.constant 0 : i32
    return %arg0, %arg1 : i32, i32
  }
  func.func @transform_1(%arg0: i32, %arg1: i32) -> (i32, i32) {
    %c0_i32 = arith.constant 0 : i32
    return %arg1, %arg0 : i32, i32
  }
  func.func @transform_2(%arg0: i32, %arg1: i32) -> i32 {
    %c0_i32 = arith.constant 0 : i32
    return %arg0 : i32
  }
}

module attributes {stable_mosaic.version = 14 : i64} {
  func.func @_capp_kernel(%arg0: i32, %arg1: i32, %arg2: memref<512x512xbf16, #tpu.memory_space<vmem>>, %arg3: memref<512x128xf32, #tpu.memory_space<vmem>>, %arg4: memref<512x128xf32, #tpu.memory_space<vmem>>) attributes {dimension_semantics = [#tpu.dimension_semantics<parallel>, #tpu.dimension_semantics<arbitrary>], iteration_bounds = array<i64: 20, 20>, scalar_prefetch = 0 : i64, scratch_operands = 0 : i64, tpu.core_type = #tpu.core_type<tc>, window_params = [{transform_indices = @transform_0, window_bounds = array<i64: 512, 512>}, {transform_indices = @transform_1, window_bounds = array<i64: 512, 128>}, {transform_indices = @transform_2, window_bounds = array<i64: 512, 128>}]} {
    %get3A = arith.constant 0 : index
    %get3A_0 = arith.constant 0 : index
    %get3A_1 = vector.load %arg3[%get3A, %get3A_0] : memref<512x128xf32, #tpu.memory_space<vmem>>, vector<512x128xf32>
    %convert_element_type3A = arith.truncf %get3A_1 : vector<512x128xf32> to vector<512x128xbf16>
    %convert_element_type3A_2 = arith.extf %convert_element_type3A : vector<512x128xbf16> to vector<512x128xf32>
    %sub3A = arith.subf %get3A_1, %convert_element_type3A_2 : vector<512x128xf32>
    %convert_element_type3A_3 = arith.truncf %sub3A : vector<512x128xf32> to vector<512x128xbf16>
    %get3A_4 = arith.constant 0 : index
    %get3A_5 = arith.constant 0 : index
    %get3A_6 = vector.load %arg2[%get3A_4, %get3A_5] : memref<512x512xbf16, #tpu.memory_space<vmem>>, vector<512x512xbf16>
    %dot_general3A = arith.constant dense<0.000000e+00> : vector<512x128xf32>
    %dot_general3A_7 = tpu.matmul %get3A_6, %convert_element_type3A, %dot_general3A {dimension_numbers = #tpu.dot_dimension_numbers<[1], [0], [0], [1], [0, 0, 1, 1], [], []>, transpose_lhs_hint = false} : vector<512x512xbf16>, vector<512x128xbf16>, vector<512x128xf32> -> vector<512x128xf32>
    %dot_general3A_8 = arith.constant dense<0.000000e+00> : vector<512x128xf32>
    %dot_general3A_9 = tpu.matmul %get3A_6, %convert_element_type3A_3, %dot_general3A_8 {dimension_numbers = #tpu.dot_dimension_numbers<[1], [0], [0], [1], [0, 0, 1, 1], [], []>, transpose_lhs_hint = false} : vector<512x512xbf16>, vector<512x128xbf16>, vector<512x128xf32> -> vector<512x128xf32>
    %add3A = arith.addf %dot_general3A_7, %dot_general3A_9 : vector<512x128xf32>
    %eq3A = arith.constant 0 : i32
    %eq3A_10 = arith.cmpi eq, %arg1, %eq3A : i32
    %convert_element_type3A_11 = arith.extui %eq3A_10 : i1 to i32
    %cond3A = arith.constant 0 : i32
    %cond3A_12 = arith.cmpi ne, %convert_element_type3A_11, %cond3A : i32
    scf.if %cond3A_12 {
      %swap3A = arith.constant 0 : index
      %swap3A_17 = arith.constant 0 : index
      %swap3A_18 = vector.load %arg4[%swap3A, %swap3A_17] : memref<512x128xf32, #tpu.memory_space<vmem>>, vector<512x128xf32>
      tpu.vector_store %arg4[%swap3A, %swap3A_17], %add3A {strides = array<i32>} : memref<512x128xf32, #tpu.memory_space<vmem>>, vector<512x128xf32>,
    } else {
    }
    %ne3A = arith.constant 0 : i32
    %ne3A_13 = arith.cmpi ne, %arg1, %ne3A : i32
    %convert_element_type3A_14 = arith.extui %ne3A_13 : i1 to i32
    %cond3A_15 = arith.constant 0 : i32
    %cond3A_16 = arith.cmpi ne, %convert_element_type3A_14, %cond3A_15 : i32
    scf.if %cond3A_16 {
      %get3A_17 = arith.constant 0 : index
      %get3A_18 = arith.constant 0 : index
      %get3A_19 = vector.load %arg4[%get3A_17, %get3A_18] : memref<512x128xf32, #tpu.memory_space<vmem>>, vector<512x128xf32>
      %add3A_20 = arith.addf %get3A_19, %add3A : vector<512x128xf32>
      %swap3A = arith.constant 0 : index
      %swap3A_21 = arith.constant 0 : index
      %swap3A_22 = vector.load %arg4[%swap3A, %swap3A_21] : memref<512x128xf32, #tpu.memory_space<vmem>>, vector<512x128xf32>
      tpu.vector_store %arg4[%swap3A, %swap3A_21], %add3A_20 {strides = array<i32>} : memref<512x128xf32, #tpu.memory_space<vmem>>, vector<512x128xf32>,
    } else {
    }
    return
  }
  func.func @transform_0(%arg0: i32, %arg1: i32) -> (i32, i32) {
    %c0_i32 = arith.constant 0 : i32
    return %arg0, %arg1 : i32, i32
  }
  func.func @transform_1(%arg0: i32, %arg1: i32) -> (i32, i32) {
    %c0_i32 = arith.constant 0 : i32
    %c0_i32_0 = arith.constant 0 : i32
    return %arg1, %c0_i32 : i32, i32
  }
  func.func @transform_2(%arg0: i32, %arg1: i32) -> (i32, i32) {
    %c0_i32 = arith.constant 0 : i32
    %c0_i32_0 = arith.constant 0 : i32
    return %arg0, %c0_i32 : i32, i32
  }
}

module attributes {stable_mosaic.version = 14 : i64} {
  func.func @_t3_kernel(%arg0: i32, %arg1: memref<1024x128xf32, #tpu.memory_space<vmem>>, %arg2: memref<1024xf32, #tpu.memory_space<vmem>>, %arg3: memref<1024xf32, #tpu.memory_space<vmem>>, %arg4: memref<128x128xf32, #tpu.memory_space<vmem>>, %arg5: memref<1024x128xf32, #tpu.memory_space<vmem>>) attributes {dimension_semantics = [#tpu.dimension_semantics<arbitrary>], iteration_bounds = array<i64: 10>, scalar_prefetch = 0 : i64, scratch_operands = 0 : i64, tpu.core_type = #tpu.core_type<tc>, window_params = [{transform_indices = @transform_0, window_bounds = array<i64: 1024, 128>}, {transform_indices = @transform_1, window_bounds = array<i64: 1024>}, {transform_indices = @transform_2, window_bounds = array<i64: 1024>}, {pipeline_mode = #tpu.pipeline_mode<synchronous>, transform_indices = @transform_3, window_bounds = array<i64: 128, 128>}, {transform_indices = @transform_4, window_bounds = array<i64: 1024, 128>}]} {
    %get3A = arith.constant 0 : index
    %get3A_0 = arith.constant 0 : index
    %get3A_1 = vector.load %arg1[%get3A, %get3A_0] : memref<1024x128xf32, #tpu.memory_space<vmem>>, vector<1024x128xf32>
    %get3A_2 = arith.constant 0 : index
    %get3A_3 = vector.load %arg2[%get3A_2] : memref<1024xf32, #tpu.memory_space<vmem>>, vector<1024xf32>
    %broadcast_in_dim3A = vector.shape_cast %get3A_3 : vector<1024xf32> to vector<1024x1xf32>
    %mul3A = vector.broadcast %broadcast_in_dim3A : vector<1024x1xf32> to vector<1024x128xf32>
    %mul3A_4 = arith.mulf %get3A_1, %mul3A : vector<1024x128xf32>
    %get3A_5 = arith.constant 0 : index
    %get3A_6 = arith.constant 0 : index
    %get3A_7 = vector.load %arg4[%get3A_5, %get3A_6] : memref<128x128xf32, #tpu.memory_space<vmem>>, vector<128x128xf32>
    %dot_general3A = arith.constant dense<0.000000e+00> : vector<1024x128xf32>
    %dot_general3A_8 = tpu.matmul %mul3A_4, %get3A_7, %dot_general3A {dimension_numbers = #tpu.dot_dimension_numbers<[1], [0], [0], [1], [0, 0, 1, 1], [], []>, transpose_lhs_hint = false} : vector<1024x128xf32>, vector<128x128xf32>, vector<1024x128xf32> -> vector<1024x128xf32>
    %get3A_9 = arith.constant 0 : index
    %get3A_10 = vector.load %arg3[%get3A_9] : memref<1024xf32, #tpu.memory_space<vmem>>, vector<1024xf32>
    %broadcast_in_dim3A_11 = vector.shape_cast %get3A_10 : vector<1024xf32> to vector<1024x1xf32>
    %mul3A_12 = vector.broadcast %broadcast_in_dim3A_11 : vector<1024x1xf32> to vector<1024x128xf32>
    %mul3A_13 = arith.mulf %mul3A_12, %dot_general3A_8 : vector<1024x128xf32>
    %swap3A = arith.constant 0 : index
    %swap3A_14 = arith.constant 0 : index
    %swap3A_15 = vector.load %arg5[%swap3A, %swap3A_14] : memref<1024x128xf32, #tpu.memory_space<vmem>>, vector<1024x128xf32>
    tpu.vector_store %arg5[%swap3A, %swap3A_14], %mul3A_13 {strides = array<i32>} : memref<1024x128xf32, #tpu.memory_space<vmem>>, vector<1024x128xf32>,
    return
  }
  func.func @transform_0(%arg0: i32) -> (i32, i32) {
    %c0_i32 = arith.constant 0 : i32
    %c0_i32_0 = arith.constant 0 : i32
    return %arg0, %c0_i32 : i32, i32
  }
  func.func @transform_1(%arg0: i32) -> i32 {
    %c0_i32 = arith.constant 0 : i32
    return %arg0 : i32
  }
  func.func @transform_2(%arg0: i32) -> i32 {
    %c0_i32 = arith.constant 0 : i32
    return %arg0 : i32
  }
  func.func @transform_3(%arg0: i32) -> (i32, i32) {
    %c0_i32 = arith.constant 0 : i32
    %c0_i32_0 = arith.constant 0 : i32
    %c0_i32_1 = arith.constant 0 : i32
    return %c0_i32, %c0_i32_0 : i32, i32
  }
  func.func @transform_4(%arg0: i32) -> (i32, i32) {
    %c0_i32 = arith.constant 0 : i32
    %c0_i32_0 = arith.constant 0 : i32
    return %arg0, %c0_i32 : i32, i32
  }
}

module attributes {stable_mosaic.version = 14 : i64} {
  func.func @_t4_kernel(%arg0: i32, %arg1: memref<1024x128xf32, #tpu.memory_space<vmem>>, %arg2: memref<1024x128xf32, #tpu.memory_space<vmem>>, %arg3: memref<1024xf32, #tpu.memory_space<vmem>>, %arg4: memref<1024xf32, #tpu.memory_space<vmem>>, %arg5: memref<1024xf32, #tpu.memory_space<vmem>>, %arg6: memref<128x128xf32, #tpu.memory_space<vmem>>, %arg7: memref<128xf32, #tpu.memory_space<vmem>>, %arg8: memref<1024x128xf32, #tpu.memory_space<vmem>>) attributes {dimension_semantics = [#tpu.dimension_semantics<arbitrary>], iteration_bounds = array<i64: 10>, scalar_prefetch = 0 : i64, scratch_operands = 0 : i64, tpu.core_type = #tpu.core_type<tc>, window_params = [{transform_indices = @transform_0, window_bounds = array<i64: 1024, 128>}, {transform_indices = @transform_1, window_bounds = array<i64: 1024, 128>}, {transform_indices = @transform_2, window_bounds = array<i64: 1024>}, {transform_indices = @transform_3, window_bounds = array<i64: 1024>}, {transform_indices = @transform_4, window_bounds = array<i64: 1024>}, {pipeline_mode = #tpu.pipeline_mode<synchronous>, transform_indices = @transform_5, window_bounds = array<i64: 128, 128>}, {pipeline_mode = #tpu.pipeline_mode<synchronous>, transform_indices = @transform_6, window_bounds = array<i64: 128>}, {transform_indices = @transform_7, window_bounds = array<i64: 1024, 128>}]} {
    %get3A = arith.constant 0 : index
    %get3A_0 = arith.constant 0 : index
    %get3A_1 = vector.load %arg2[%get3A, %get3A_0] : memref<1024x128xf32, #tpu.memory_space<vmem>>, vector<1024x128xf32>
    %get3A_2 = arith.constant 0 : index
    %get3A_3 = vector.load %arg3[%get3A_2] : memref<1024xf32, #tpu.memory_space<vmem>>, vector<1024xf32>
    %broadcast_in_dim3A = vector.shape_cast %get3A_3 : vector<1024xf32> to vector<1024x1xf32>
    %get3A_4 = arith.constant 0 : index
    %get3A_5 = arith.constant 0 : index
    %get3A_6 = vector.load %arg1[%get3A_4, %get3A_5] : memref<1024x128xf32, #tpu.memory_space<vmem>>, vector<1024x128xf32>
    %get3A_7 = arith.constant 0 : index
    %get3A_8 = vector.load %arg4[%get3A_7] : memref<1024xf32, #tpu.memory_space<vmem>>, vector<1024xf32>
    %broadcast_in_dim3A_9 = vector.shape_cast %get3A_8 : vector<1024xf32> to vector<1024x1xf32>
    %mul3A = vector.broadcast %broadcast_in_dim3A_9 : vector<1024x1xf32> to vector<1024x128xf32>
    %mul3A_10 = arith.mulf %mul3A, %get3A_1 : vector<1024x128xf32>
    %sub3A = arith.subf %get3A_6, %mul3A_10 : vector<1024x128xf32>
    %mul3A_11 = arith.constant 2.000000e+00 : f32
    %mul3A_12 = vector.broadcast %mul3A_11 : f32 to vector<1024x128xf32>
    %mul3A_13 = arith.mulf %mul3A_12, %get3A_1 : vector<1024x128xf32>
    %add3A = arith.addf %sub3A, %mul3A_13 : vector<1024x128xf32>
    %mul3A_14 = vector.broadcast %broadcast_in_dim3A : vector<1024x1xf32> to vector<1024x128xf32>
    %mul3A_15 = arith.mulf %mul3A_14, %add3A : vector<1024x128xf32>
    %get3A_16 = arith.constant 0 : index
    %get3A_17 = vector.load %arg7[%get3A_16] : memref<128xf32, #tpu.memory_space<vmem>>, vector<128xf32>
    %broadcast_in_dim3A_18 = vector.shape_cast %get3A_17 : vector<128xf32> to vector<1x128xf32>
    %add3A_19 = vector.broadcast %broadcast_in_dim3A_18 : vector<1x128xf32> to vector<1024x128xf32>
    %add3A_20 = arith.addf %mul3A_15, %add3A_19 : vector<1024x128xf32>
    %max3A = arith.constant 0.000000e+00 : f32
    %max3A_21 = vector.broadcast %max3A : f32 to vector<1024x128xf32>
    %max3A_22 = arith.maximumf %add3A_20, %max3A_21 : vector<1024x128xf32>
    %get3A_23 = arith.constant 0 : index
    %get3A_24 = vector.load %arg5[%get3A_23] : memref<1024xf32, #tpu.memory_space<vmem>>, vector<1024xf32>
    %broadcast_in_dim3A_25 = vector.shape_cast %get3A_24 : vector<1024xf32> to vector<1024x1xf32>
    %mul3A_26 = vector.broadcast %broadcast_in_dim3A_25 : vector<1024x1xf32> to vector<1024x128xf32>
    %mul3A_27 = arith.mulf %max3A_22, %mul3A_26 : vector<1024x128xf32>
    %get3A_28 = arith.constant 0 : index
    %get3A_29 = arith.constant 0 : index
    %get3A_30 = vector.load %arg6[%get3A_28, %get3A_29] : memref<128x128xf32, #tpu.memory_space<vmem>>, vector<128x128xf32>
    %dot_general3A = arith.constant dense<0.000000e+00> : vector<1024x128xf32>
    %dot_general3A_31 = tpu.matmul %mul3A_27, %get3A_30, %dot_general3A {dimension_numbers = #tpu.dot_dimension_numbers<[1], [0], [0], [1], [0, 0, 1, 1], [], []>, transpose_lhs_hint = false} : vector<1024x128xf32>, vector<128x128xf32>, vector<1024x128xf32> -> vector<1024x128xf32>
    %mul3A_32 = vector.broadcast %broadcast_in_dim3A : vector<1024x1xf32> to vector<1024x128xf32>
    %mul3A_33 = arith.mulf %mul3A_32, %dot_general3A_31 : vector<1024x128xf32>
    %swap3A = arith.constant 0 : index
    %swap3A_34 = arith.constant 0 : index
    %swap3A_35 = vector.load %arg8[%swap3A, %swap3A_34] : memref<1024x128xf32, #tpu.memory_space<vmem>>, vector<1024x128xf32>
    tpu.vector_store %arg8[%swap3A, %swap3A_34], %mul3A_33 {strides = array<i32>} : memref<1024x128xf32, #tpu.memory_space<vmem>>, vector<1024x128xf32>,
    return
  }
  func.func @transform_0(%arg0: i32) -> (i32, i32) {
    %c0_i32 = arith.constant 0 : i32
    %c0_i32_0 = arith.constant 0 : i32
    return %arg0, %c0_i32 : i32, i32
  }
  func.func @transform_1(%arg0: i32) -> (i32, i32) {
    %c0_i32 = arith.constant 0 : i32
    %c0_i32_0 = arith.constant 0 : i32
    return %arg0, %c0_i32 : i32, i32
  }
  func.func @transform_2(%arg0: i32) -> i32 {
    %c0_i32 = arith.constant 0 : i32
    return %arg0 : i32
  }
  func.func @transform_3(%arg0: i32) -> i32 {
    %c0_i32 = arith.constant 0 : i32
    return %arg0 : i32
  }
  func.func @transform_4(%arg0: i32) -> i32 {
    %c0_i32 = arith.constant 0 : i32
    return %arg0 : i32
  }
  func.func @transform_5(%arg0: i32) -> (i32, i32) {
    %c0_i32 = arith.constant 0 : i32
    %c0_i32_0 = arith.constant 0 : i32
    %c0_i32_1 = arith.constant 0 : i32
    return %c0_i32, %c0_i32_0 : i32, i32
  }
  func.func @transform_6(%arg0: i32) -> i32 {
    %c0_i32 = arith.constant 0 : i32
    %c0_i32_0 = arith.constant 0 : i32
    return %c0_i32 : i32
  }
  func.func @transform_7(%arg0: i32) -> (i32, i32) {
    %c0_i32 = arith.constant 0 : i32
    %c0_i32_0 = arith.constant 0 : i32
    return %arg0, %c0_i32 : i32, i32
  }
}

module attributes {stable_mosaic.version = 14 : i64} {
  func.func @_t5_kernel(%arg0: i32, %arg1: memref<1024x128xf32, #tpu.memory_space<vmem>>, %arg2: memref<1024x128xf32, #tpu.memory_space<vmem>>, %arg3: memref<1024xf32, #tpu.memory_space<vmem>>, %arg4: memref<1024xf32, #tpu.memory_space<vmem>>, %arg5: memref<128xf32, #tpu.memory_space<vmem>>, %arg6: memref<1024x128xf32, #tpu.memory_space<vmem>>) attributes {dimension_semantics = [#tpu.dimension_semantics<arbitrary>], iteration_bounds = array<i64: 10>, scalar_prefetch = 0 : i64, scratch_operands = 0 : i64, tpu.core_type = #tpu.core_type<tc>, window_params = [{transform_indices = @transform_0, window_bounds = array<i64: 1024, 128>}, {transform_indices = @transform_1, window_bounds = array<i64: 1024, 128>}, {transform_indices = @transform_2, window_bounds = array<i64: 1024>}, {transform_indices = @transform_3, window_bounds = array<i64: 1024>}, {pipeline_mode = #tpu.pipeline_mode<synchronous>, transform_indices = @transform_4, window_bounds = array<i64: 128>}, {transform_indices = @transform_5, window_bounds = array<i64: 1024, 128>}]} {
    %get3A = arith.constant 0 : index
    %get3A_0 = arith.constant 0 : index
    %get3A_1 = vector.load %arg2[%get3A, %get3A_0] : memref<1024x128xf32, #tpu.memory_space<vmem>>, vector<1024x128xf32>
    %get3A_2 = arith.constant 0 : index
    %get3A_3 = arith.constant 0 : index
    %get3A_4 = vector.load %arg1[%get3A_2, %get3A_3] : memref<1024x128xf32, #tpu.memory_space<vmem>>, vector<1024x128xf32>
    %get3A_5 = arith.constant 0 : index
    %get3A_6 = vector.load %arg4[%get3A_5] : memref<1024xf32, #tpu.memory_space<vmem>>, vector<1024xf32>
    %broadcast_in_dim3A = vector.shape_cast %get3A_6 : vector<1024xf32> to vector<1024x1xf32>
    %mul3A = vector.broadcast %broadcast_in_dim3A : vector<1024x1xf32> to vector<1024x128xf32>
    %mul3A_7 = arith.mulf %mul3A, %get3A_1 : vector<1024x128xf32>
    %sub3A = arith.subf %get3A_4, %mul3A_7 : vector<1024x128xf32>
    %mul3A_8 = arith.constant 2.000000e+00 : f32
    %mul3A_9 = vector.broadcast %mul3A_8 : f32 to vector<1024x128xf32>
    %mul3A_10 = arith.mulf %mul3A_9, %get3A_1 : vector<1024x128xf32>
    %add3A = arith.addf %sub3A, %mul3A_10 : vector<1024x128xf32>
    %get3A_11 = arith.constant 0 : index
    %get3A_12 = vector.load %arg3[%get3A_11] : memref<1024xf32, #tpu.memory_space<vmem>>, vector<1024xf32>
    %broadcast_in_dim3A_13 = vector.shape_cast %get3A_12 : vector<1024xf32> to vector<1024x1xf32>
    %mul3A_14 = vector.broadcast %broadcast_in_dim3A_13 : vector<1024x1xf32> to vector<1024x128xf32>
    %mul3A_15 = arith.mulf %mul3A_14, %add3A : vector<1024x128xf32>
    %get3A_16 = arith.constant 0 : index
    %get3A_17 = vector.load %arg5[%get3A_16] : memref<128xf32, #tpu.memory_space<vmem>>, vector<128xf32>
    %broadcast_in_dim3A_18 = vector.shape_cast %get3A_17 : vector<128xf32> to vector<1x128xf32>
    %add3A_19 = vector.broadcast %broadcast_in_dim3A_18 : vector<1x128xf32> to vector<1024x128xf32>
    %add3A_20 = arith.addf %mul3A_15, %add3A_19 : vector<1024x128xf32>
    %swap3A = arith.constant 0 : index
    %swap3A_21 = arith.constant 0 : index
    %swap3A_22 = vector.load %arg6[%swap3A, %swap3A_21] : memref<1024x128xf32, #tpu.memory_space<vmem>>, vector<1024x128xf32>
    tpu.vector_store %arg6[%swap3A, %swap3A_21], %add3A_20 {strides = array<i32>} : memref<1024x128xf32, #tpu.memory_space<vmem>>, vector<1024x128xf32>,
    return
  }
  func.func @transform_0(%arg0: i32) -> (i32, i32) {
    %c0_i32 = arith.constant 0 : i32
    %c0_i32_0 = arith.constant 0 : i32
    return %arg0, %c0_i32 : i32, i32
  }
  func.func @transform_1(%arg0: i32) -> (i32, i32) {
    %c0_i32 = arith.constant 0 : i32
    %c0_i32_0 = arith.constant 0 : i32
    return %arg0, %c0_i32 : i32, i32
  }
  func.func @transform_2(%arg0: i32) -> i32 {
    %c0_i32 = arith.constant 0 : i32
    return %arg0 : i32
  }
  func.func @transform_3(%arg0: i32) -> i32 {
    %c0_i32 = arith.constant 0 : i32
    return %arg0 : i32
  }
  func.func @transform_4(%arg0: i32) -> i32 {
    %c0_i32 = arith.constant 0 : i32
    %c0_i32_0 = arith.constant 0 : i32
    return %c0_i32 : i32
  }
  func.func @transform_5(%arg0: i32) -> (i32, i32) {
    %c0_i32 = arith.constant 0 : i32
    %c0_i32_0 = arith.constant 0 : i32
    return %arg0, %c0_i32 : i32, i32
  }
}

</mosaic_0001>

<sc_bundles>
// kernel: kernel.17.cloned.1.call-start
scs
__scs_entry_jumppad:
0x0: {  	(pc) =	sbr.rel $0x88, $3  }
0x1: {  	(tag) =	ssettag $0x0;
	lr =	simm.s32 $0x1  }
0x2: {  	[smem:$0x3F98] =	sst lr;
	_ =	strace $0xD0000000  }
0x3: {  	_ = 	snop  }
0x4: {  	_ = 	snop  }
0x5: {  	_ = 	snop  }
0x6: {  	_ = 	snop  }
0x7: {  	_ = 	snop  }
__scs_overlays_trampoline_lowered:
0x8: {  	[smem:$0x3FA7] =	sst s0  }
0x9: {  	[smem:$0x3FA8] =	sst s1  }
0xa: {  	[smem:$0x3FA9] =	sst s2  }
0xb: {  	[smem:$0x3FAA] =	sst s3  }
0xc: {  	[smem:$0x3FAB] =	sst s4  }
0xd: {  	[smem:$0x3FAC] =	sst s5  }
0xe: {  	[smem:$0x3FAD] =	sst s6  }
0xf: {  	[smem:$0x3FAE] =	sst s7  }
0x10: {  	[smem:$0x3FAF] =	sst s8  }
0x11: {  	[smem:$0x3FB0] =	sst s9;
	s0 =	simm.s32 @!p0 $0x0  }
0x12: {  	s1 =	sld [smem:$0x3F96];
	s0 =	simm.s32 @p0 $0x1  }
0x13: {  	[smem:$0x3FB1] =	sst s0;
	s0 =	simm.s32 @!p1 $0x0  }
0x14: {  	s2 =	sld [smem:$0x3F95];
	s0 =	simm.s32 @p1 $0x1  }
0x15: {  	[smem:$0x3FB2] =	sst s0;
	s0 =	simm.s32 @!p2 $0x0  }
0x16: {  	s3 =	sld [smem:$0x3FDB];
	s0 =	simm.s32 @p2 $0x1  }
0x17: {  	s4 =	simm.s32 $0x1BF5;
	[smem:$0x3FB4] =	sst s0  }
0x18: {  	s0 =	sld [smem:$0x3F97];
	_ =	swait.ge [sflag:s4], $0x0  }
0x19: {  	s7 =	sld [smem:$0x3F98]  }
0x1a: {  	s8 =	sadd.s32 $0xFFFFE003, lr  }
0x1b: {  	s9 =	sadd.s32 $0xFFFFFEF7, lr;
	s5 =	simm.s32 $0xFFFFFFFF;
	p2 =	slt.u32 s8, $0xFFFFF086  }
0x1c: {  	p1 =	slt.u32 s9, $0xF7A;
	s5 =	simm.s32 @!p2 $0x0  }
0x1d: {  	s5 =	simm.s32 @p1 $0x1;
	p0 =	seq.s32 s7, s2  }
0x1e: {  	s7 =	smul.u32 @!p0 $0xF7A, s2;
	p2 =	seq.s32 @!p0 s5, $0x0  }
0x1f: {  	s9 =	smul.u32 $0xF7A, s1;
	s8 =	simm.s32 @!p0 $0x1BF5;
	p2 =	por !p2, p0  }
0x20: {  	[sflag:s8] =	ssyncset.s32 @!p0 $0xFFFFF086;
	s6 =	sadd.s32 @!p0 s3, s7;
	s7 =	simm.s32 @!p0 $0x108  }
0x21: {  	s3 =	sadd.s32 s3, s9;
	s6 =	sadd.s32 @!p0 $0x88, s6;
	s7 =	simm.s32 @p2 $0x1082  }
0x22: {  	[simem:s7], [sflag:s8] =	dma.local @!p0 [hbm:s6], $0xF7A  }
0x23: {  	s9 =	sor.u32 $0xD0000000, s2;
	s6 =	simm.s32 $0x108;
	_ =	swait.ge @!p0 [sflag:s8], $0x0  }
0x24: {  	s3 =	sadd.s32 $0x88, s3;
	s6 =	simm.s32 @!p1 $0x1082;
	[sflag:s4] =	ssyncset.s32 $0xFFFFF086  }
0x25: {  	[simem:s6], [sflag:s4] =	dma.local [hbm:s3], $0xF7A  }
0x26: {  	[smem:$0x3F98] =	sst s1;
	(tag) =	ssettag s2;
	_ =	strace s9  }
0x27: {  	s1 =	sld [smem:$0x3FA8]  }
0x28: {  	s2 =	sld [smem:$0x3FA9]  }
0x29: {  	s4 =	sld [smem:$0x3FAB]  }
0x2a: {  	p0 =	seq.s32 s5, $0x0;
	s5 =	sld [smem:$0x3FAC]  }
0x2b: {  	s6 =	sld [smem:$0x3FAD]  }
0x2c: {  	s7 =	sld [smem:$0x3FAE]  }
0x2d: {  	s3 =	simm.s32 $0x108;
	s8 =	sld [smem:$0x3FAF]  }
0x2e: {  	s3 =	simm.s32 @!p0 $0x1082;
	s9 =	sld [smem:$0x3FB0]  }
0x2f: {  	lr =	sadd.s32 s0, s3;
	s0 =	sld [smem:$0x3FA7]  }
0x30: {  	s3 =	sld [smem:$0x3FAA]  }
0x31: {  	[smem:$0x3FB3] =	sst s10  }
0x32: {  	s10 =	sld [smem:$0x3FB1];
	_ =	sdelay $0x3  }
0x33: {  	p0 =	seq.s32 s10, $0x1;
	s10 =	sld [smem:$0x3FB3];
	_ =	sdelay $0x3  }
0x34: {  	[smem:$0x3FB3] =	sst s10  }
0x35: {  	s10 =	sld [smem:$0x3FB2];
	_ =	sdelay $0x3  }
0x36: {  	p1 =	seq.s32 s10, $0x1;
	s10 =	sld [smem:$0x3FB3];
	_ =	sdelay $0x3  }
0x37: {  	[smem:$0x3FB3] =	sst s10  }
0x38: {  	s10 =	sld [smem:$0x3FB4]  }
0x39: {  	_ = 	snop;
	(pc) =	sbr.ind lr, $3  }
0x3a: {  	_ = 	snop  }
0x3b: {  	_ = 	snop  }
0x3c: {  	p2 =	seq.s32 s10, $0x1;
	s10 =	sld [smem:$0x3FB3]  }
0x3d: {  	_ =	shalt  }
0x3e: {  	_ =	shalt  }
0x3f: {  	_ =	shalt  }
0x40: {  	_ =	shalt  }
0x41: {  	_ =	shalt  }
0x42: {  	_ =	shalt  }
0x43: {  	_ =	shalt  }
0x44: {  	_ =	shalt  }
0x45: {  	_ =	shalt  }
0x46: {  	_ =	shalt  }
0x47: {  	_ =	shalt  }
0x48: {  	_ =	shalt  }
0x49: {  	_ =	shalt  }
0x4a: {  	_ =	shalt  }
0x4b: {  	_ =	shalt  }
0x4c: {  	_ =	shalt  }
0x4d: {  	_ =	shalt  }
0x4e: {  	_ =	shalt  }
0x4f: {  	_ =	shalt  }
0x50: {  	_ =	shalt  }
0x51: {  	_ =	shalt  }
0x52: {  	_ =	shalt  }
0x53: {  	_ =	shalt  }
0x54: {  	_ =	shalt  }
0x55: {  	_ =	shalt  }
0x56: {  	_ =	shalt  }
0x57: {  	_ =	shalt  }
0x58: {  	_ =	shalt  }
0x59: {  	_ =	shalt  }
0x5a: {  	_ =	shalt  }
0x5b: {  	_ =	shalt  }
0x5c: {  	_ =	shalt  }
0x5d: {  	_ =	shalt  }
0x5e: {  	_ =	shalt  }
0x5f: {  	_ =	shalt  }
0x60: {  	_ =	shalt  }
0x61: {  	_ =	shalt  }
0x62: {  	_ =	shalt  }
0x63: {  	_ =	shalt  }
0x64: {  	_ =	shalt  }
0x65: {  	_ =	shalt  }
0x66: {  	_ =	shalt  }
0x67: {  	_ =	shalt  }
0x68: {  	_ =	shalt  }
0x69: {  	_ =	shalt  }
0x6a: {  	_ =	shalt  }
0x6b: {  	_ =	shalt  }
0x6c: {  	_ =	shalt  }
0x6d: {  	_ =	shalt  }
0x6e: {  	_ =	shalt  }
0x6f: {  	_ =	shalt  }
0x70: {  	_ =	shalt  }
0x71: {  	_ =	shalt  }
0x72: {  	_ =	shalt  }
0x73: {  	_ =	shalt  }
0x74: {  	_ =	shalt  }
0x75: {  	_ =	shalt  }
0x76: {  	_ =	shalt  }
0x77: {  	_ =	shalt  }
0x78: {  	_ =	shalt  }
0x79: {  	_ =	shalt  }
0x7a: {  	_ =	shalt  }
0x7b: {  	_ =	shalt  }
0x7c: {  	_ =	shalt  }
0x7d: {  	_ =	shalt  }
0x7e: {  	_ =	shalt  }
0x7f: {  	_ =	shalt  }
0x80: {  	_ =	shalt  }
0x81: {  	_ =	shalt  }
0x82: {  	_ =	shalt  }
0x83: {  	_ =	shalt  }
0x84: {  	_ =	shalt  }
0x85: {  	_ =	shalt  }
0x86: {  	_ =	shalt  }
0x87: {  	_ =	shalt  }
.Lfunc_end0:
.L_simem_size_0:
called_computation_lowered:
.L_overlay_start_0:
0x88: {  	s2 =	sld [smem:$0x3FD9]  }
0x89: {  	s3 =	sld [smem:$0x3FFE];
	_ =	sdelay $0x1  }
0x8a: {  	s1 =	srdreg.scid  }
0x8b: {  	s0 =	sand.u32 $0x1, s1  }
0x8c: {  	s14 =	sshll.u32 s0, $0xA;
	s2 =	sadd.s32 s3, s2  }
0x8d: {  	s2 =	sadd.s32 s2, s14  }
0x8e: {  	[smem:$0x3FBF] =	sst s2  }
0x8f: {  	_ = 	snop  }
0x90: {  	s2 =	sld [smem:$0x3FD0];
	_ =	sdelay $0x2  }
0x91: {  	s15 =	simm.s32 $0xA;
	s4 =	simm.s32 $0x10  }
0x92: {  	[smem:s4], [sflag:s15] =	dma.local [hbm:s2], $0x1  }
0x93: {  	_ =	swait.eq [sflag:s15], $0x1  }
0x94: {  	[sflag:s15] =	ssyncset.done $0x0  }
0x95: {  	[sflag:s15] =	ssyncadd.s32 $0xFFFFFFFF  }
0x96: {  	s16 =	sld [smem:$0x10];
	(tm) =	ssettm $0x1  }
0x97: {  	s17 =	sld [smem:$0x3FFB];
	_ =	sdelay $0x3  }
0x98: {  	_ =	strace s17  }
0x99: {  	s3 =	sld [smem:$0x3FFC];
	_ =	sdelay $0x3  }
0x9a: {  	_ =	strace s3  }
0x9b: {  	s3 =	sld [smem:$0x3FFD];
	_ =	sdelay $0x3  }
0x9c: {  	_ =	strace s3  }
0x9d: {  	_ =	strace $0x8FFFFFFF  }
0x9e: {  	s18 =	sld [smem:$0x3FDB];
	_ =	sdelay $0x1  }
0x9f: {  	s19 =	simm.s32 $_scs_section_size  }
0xa0: {  	s5 =	simm.s32 $_size__tile_overlayer_lowered;
	s6 =	simm.s32 $_tile_overlayer_lowered  }
0xa1: {  	s22 =	simm.s32 $0x1BFF;
	s21 =	sshll.u32 s6, $0x1;
	s3 =	sadd.s32 s19, s18  }
0xa2: {  	s7 =	simm.s32 $0x0;
	s20 =	sshll.u32 s5, $0x1;
	s5 =	sadd.s32 s21, s3  }
0xa3: {  	[timem:s7], [sflag:s22] =	dma.local [hbm:s5], s20  }
0xa4: {  	_ =	swait.ge [sflag:s22], s20  }
0xa5: {  	s4 =	ssub.s32 $0x0, s20;
	[sflag:s22] =	ssyncset.done $0x0  }
0xa6: {  	[sflag:s22] =	ssyncadd.s32 s4;
	_ =	sdelay $0x1  }
0xa7: {  	s23 =	simm.s32 $0x1B8B  }
0xa8: {  	_ =	swait.ge [sflag:s23], $0x1  }
0xa9: {  	[sflag:s23] =	ssyncset.done $0x0  }
0xaa: {  	s25 =	simm.s32 $0x1B8E;
	s24 =	sld [smem:$0x3FFE];
	[sflag:s23] =	ssyncadd.s32 $0xFFFFFFFF  }
0xab: {  	s26 =	simm.s32 $execute0_lowered;
	[smem:$0x3FD2] =	sst s25  }
0xac: {  	s5 =	sshll.u32 s26, $0x1;
	_ =	strace $0x80000046;
	[dreg:$0x1] =	wrdreg $0xFFFFFFFF  }
0xad: {  	s28 =	simm.s32 $_size_execute0_lowered;
	s3 =	sadd.s32 s3, s5;
	[dreg:$0x0] =	wrdreg $0x0  }
0xae: {  	s5 =	sshll.u32 s28, $0x1;
	[dreg:$0x2] =	wrdreg s3  }
0xaf: {  	[dreg:$0x3] =	wrdreg s5  }
0xb0: {  	[dreg:$0x4] =	wrdreg $0xC0  }
0xb1: {  	_ =	task [dreg:s7], $0x5FFFF  }
0xb2: {  	[dreg:$0x1] =	wrdreg $0xFFFFFFFF  }
0xb3: {  	[dreg:$0x0] =	wrdreg $0x60  }
0xb4: {  	[dreg:$0x2] =	wrdreg s24  }
0xb5: {  	[dreg:$0x3] =	wrdreg s16  }
0xb6: {  	[dreg:$0x4] =	wrdreg $0x9  }
0xb7: {  	_ =	task.clear_ibuf [dreg:s7], $0x5FFFF;
	_ =	strace $0x90000046  }
0xb8: {  	s29 =	simm.s32 $0x9;
	_ =	strace $0x80000048  }
0xb9: {  	_ =	swait.ge [sflag:s29], $0x1  }
0xba: {  	[sflag:s29] =	ssyncadd.s32 $0xFFFFFFFF  }
0xbb: {  	_ =	strace $0x90000048  }
0xbc: {  	_ =	sfence  }
0xbd: {  	s30 =	sld [smem:$0x0];
	_ =	sdelay $0x2  }
0xbe: {  	s31 =	sshll.u32 s1, $0xD;
	s1 =	sshrl.u32 s1, $0x2  }
0xbf: {  	s3 =	sand.u32 $0x4000, s31;
	s1 =	sadd.s32 s1, s30  }
0xc0: {  	s0 =	sor.u32 s3, s0;
	s1 =	sshll.u32 s1, $0x11  }
0xc1: {  	s0 =	sor.u32 s1, s0  }
0xc2: {  	s0 =	sadd.s32 $0x8F2B, s0  }
0xc3: {  	[sflag:s0] =	ssyncadd.remote.s32 $0x1  }
0xc4: {  	_ =	sfence.sel $0xFFFF  }
0xc5: {  	[dreg:$0x0] =	wrdreg $0xFFFFFFFF;
	(pc) =	sbr.abs _section_cstart, $3  }
0xc6: {  	[dreg:$0x1] =	wrdreg $0xFFFFFFFF  }
0xc7: {  	_ =	task.clear_ibuf [dreg:s7], $0x2FFFF;
	_ =	strace $0x9FFFFFFF  }
0xc8: {  	(tm) =	ssettm $0x7FFFFFFF  }
0xc9: {  	_ =	shalt  }
tec
execute0_lowered:
.L_overlay_start_1:
0x0: {  	(tag) =	ssettag $0x1  }
0x1: {  	s1 =	rddreg [dreg:$0x0]  }
0x2: {  	s2 =	rddreg [dreg:$0x1]  }
0x3: {  	s4 =	srdreg.scid;
	s0 =	rddreg [dreg:$0x2]  }
0x4: {  	s3 =	simm.s32 $0x0;
	s5 =	stileid.u32;
	s4 =	sand.u32 $0x1, s4  }
0x5: {  	s9 =	simm.s32 $0x14000;
	s10 =	simm.s32 $0x1;
	s7 =	ssub.s32 $0x2, s4  }
0x6: {  	s11 =	simm.s32 $0x15000;
	s12 =	simm.s32 $0x0;
	s8 =	sshrl.u32 s7, $0x1  }
0x7: {  	[smem:$0x7FF] =	sst s3;
	s6 =	sadd.s32 $0x5000, s1;
	s8 =	ssub.s32 s7, s8  }
0x8: {  	v0 =	vimm.f32 $0.0e+00;
	v1 =	vimm.f32 $1.000000000e+00;
	_ =	strace $0x80000047;
	s7 =	sshll.u32 s5, $0x1;
	s8 =	smax.u32 s8, $0x1  }
.LBB2_1:
0x9: {  	s13 =	simm.s32 $0x0  }
.LBB2_2:
0xa: {  	s14 =	simm.s32 $0x40;
	s15 =	simm.s32 $0x0  }
.LBB2_3:
0xb: {  	p0 =	sne.s32 s14, $0x4FFC0;
	[tilespmem:s15+$0x0] =	vst v0;
	s15 =	smov.u32 s14;
	s14 =	sadd.s32 $0x40, s14  }
.Ltmp0:
0xc: {  	(pc) =	sbr.rel @p0 .LBB2_3-.Ltmp0, $2  }
0xd: {  	_ =	sdelay $0x2  }
0xe: {  	s15 =	sshra.s32 s15, $0x2  }
0xf: {  	s14 =	sshll.u32 s13, $0x5  }
0x10: {  	s16 =	sor.u32 s7, s14  }
0x11: {  	s14 =	sor.u32 s4, s16  }
0x12: {  	p0 =	sgt.u32 s16, $0x4E1;
	s17 =	sshll.u32 s14, $0x3  }
0x13: {  	v2 =	vmov s17;
	s16 =	sadd.s32 @!p0 $0x2801, s17  }
0x14: {  	v3 =	vand.u32 @!p0 $0xFFFFFFF8, v2;
	v4 =	vmov @!p0 s16;
	s16 =	sadd.s32 @!p0 $0x5002, s17  }
0x15: {  	v3 =	vbroadcast @!p0 v3, $0x0;
	v4 =	vand.u32 @!p0 $0xFFFFFFF9, v4;
	v5 =	vmov @!p0 s16;
	s16 =	sadd.s32 @!p0 $0x7803, s17  }
0x16: {  	v4 =	vbroadcast @!p0 v4, $0x0;
	v5 =	vand.u32 @!p0 $0xFFFFFFFA, v5;
	v6 =	vmov @!p0 s16;
	s16 =	sadd.s32 @!p0 $0xA004, s17  }
0x17: {  	v5 =	vbroadcast @!p0 v5, $0x0;
	v6 =	vand.u32 @!p0 $0xFFFFFFFB, v6;
	v7 =	vmov @!p0 s16;
	s16 =	sadd.s32 @!p0 $0xC805, s17  }
0x18: {  	v6 =	vbroadcast @!p0 v6, $0x0;
	v7 =	vand.u32 @!p0 $0xFFFFFFFC, v7;
	v8 =	vmov @!p0 s16;
	s16 =	sadd.s32 @!p0 $0xF006, s17  }
0x19: {  	v7 =	vbroadcast @!p0 v7, $0x0;
	v8 =	vand.u32 @!p0 $0xFFFFFFFD, v8;
	v9 =	vmov @!p0 s16  }
0x1a: {  	[tilespmem:s15+$0x0] =	vst v0;
	v10 =	vimm.f32 @!p0 $1.000000000e+00;
	s15 =	simm.s32 @!p0 $0x0;
	v8 =	vbroadcast @!p0 v8, $0x0;
	v9 =	vand.u32 @!p0 $0xFFFFFFFE, v9  }
0x1b: {  	[tilespmem:v3+s15+$0x0] =	vst.idx.add.f32.msk @!p0 $0x1, v10;
	v3 =	vbroadcast @!p0 v9, $0x0  }
0x1c: {  	s16 =	sadd.s32 @!p0 $0x11807, s17;
	[tilespmem:v4+s15+$0x0] =	vst.idx.add.f32.msk @!p0 $0x1, v10  }
0x1d: {  	v4 =	vmov @!p0 s16;
	[tilespmem:v5+s15+$0x0] =	vst.idx.add.f32.msk @!p0 $0x1, v10  }
0x1e: {  	[tilespmem:v6+s15+$0x0] =	vst.idx.add.f32.msk @!p0 $0x1, v10  }
0x1f: {  	[tilespmem:v7+s15+$0x0] =	vst.idx.add.f32.msk @!p0 $0x1, v10  }
0x20: {  	[tilespmem:v8+s15+$0x0] =	vst.idx.add.f32.msk @!p0 $0x1, v10  }
0x21: {  	[tilespmem:v3+s15+$0x0] =	vst.idx.add.f32.msk @!p0 $0x1, v10  }
0x22: {  	v2 =	vbroadcast v2, $0x0;
	s16 =	simm.s32 $0x0;
	[tilespmem:v4+s15+$0x0] =	vst.idx.add.f32.msk @!p0 $0x1, v10;
	s15 =	simm.s32 $0x0  }
.LBB2_5:
0x23: {  	s17 =	smul.u32 $0x1F4, s16;
	_ =	sdelay $0x1  }
0x24: {  	s18 =	sadd.s32 s1, s17  }
0x25: {  	[tilespmem:s9], [sflag:$0x1] =	stream.linear.gather [hbm4b:s18+s15], $0xFA0, $0x38;
	[tilespmem:$0x16000] =	vst v63  }
0x26: {  	_ =	swait.ge [sflag:s10], $0xFA0  }
0x27: {  	[sflag:s10] =	ssyncset.done $0x0  }
0x28: {  	s17 =	sadd.s32 s2, s17;
	[sflag:s10] =	ssyncadd.s32 $0xFFFFF060  }
0x29: {  	[tilespmem:s11], [sflag:$0x1] =	stream.linear.gather [hbm4b:s17+s15], $0xFA0, $0x38;
	[tilespmem:$0x16000] =	vst v63  }
0x2a: {  	_ =	swait.ge [sflag:s10], $0xFA0  }
0x2b: {  	[sflag:s10] =	ssyncset.done $0x0  }
0x2c: {  	s18 =	simm.s32 $0x0;
	s17 =	simm.s32 $0x40;
	[sflag:s10] =	ssyncadd.s32 $0xFFFFF060  }
.LBB2_6:
0x2d: {  	p0 =	sne.s32 s17, $0x3E40;
	v3 =	vld [tilespmem:s18+$0x14000];
	_ =	sdelay $0x2  }
0x2e: {  	v4 =	vld [tilespmem:s18+$0x15000];
	_ =	sdelay $0x1  }
0x2f: {  	v3 =	vsub.s32 v3, v2  }
0x30: {  	v5 =	vmul.u32 $0x2800, v3;
	_ =	sdelay $0x1  }
0x31: {  	vm0 =	vlt.u32 v3, $0x8;
	v3 =	vadd.s32 v4, v5  }
0x32: {  	v3 =	vnsel vm0, $0x0, v3  }
.Ltmp1:
0x33: {  	(pc) =	sbr.rel @p0 .LBB2_6-.Ltmp1, $2  }
0x34: {  	_ =	sdelay $0x2  }
0x35: {  	s18 =	sshra.s32 s17, $0x2;
	s17 =	sadd.s32 $0x40, s17;
	[tilespmem:v3+s3+$0x0] =	vst.idx.add.f32.msk vm0, v1  }
0x36: {  	v3 =	vld [tilespmem:s18+$0x14000];
	_ =	sdelay $0x2  }
0x37: {  	v4 =	vld [tilespmem:s18+$0x15000];
	_ =	sdelay $0x1  }
0x38: {  	v3 =	vsub.s32 v3, v2  }
0x39: {  	v5 =	vmul.u32 $0x2800, v3;
	_ =	sdelay $0x1  }
0x3a: {  	s16 =	sadd.s32 $0x1, s16;
	vm0 =	vlt.u32 v3, $0x8;
	v3 =	vadd.s32 v4, v5  }
0x3b: {  	p0 =	sne.s32 s16, $0x28;
	v3 =	vnsel vm0, $0x0, v3  }
.Ltmp2:
0x3c: {  	_ = 	snop;
	(pc) =	sbr.rel @p0 .LBB2_5-.Ltmp2, $2  }
0x3d: {  	_ =	sdelay $0x2  }
0x3e: {  	[tilespmem:v3+s3+$0x0] =	vst.idx.add.f32.msk vm0, v1  }
0x3f: {  	s14 =	smul.u32 $0x2800, s14;
	s13 =	sadd.s32 $0x1, s13  }
0x40: {  	p0 =	sne.s32 s13, $0x28  }
.Ltmp3:
0x41: {  	s14 =	sadd.s32 s6, s14;
	(pc) =	sbr.rel @p0 .LBB2_2-.Ltmp3, $4  }
0x42: {  	[hbm4b:s14+s3] =	stream.linear.scatter [tilespmem:s3], [sflag:$0x1], $0x14000, $0x38;
	[tilespmem:$0x16000] =	vst v63  }
0x43: {  	_ =	swait.ge [sflag:s10], $0x14000  }
0x44: {  	[sflag:s10] =	ssyncset.done $0x0  }
0x45: {  	[sflag:s10] =	ssyncadd.s32 $0xFFFEC000  }
0x46: {  	s12 =	sadd.s32 $0x1, s12  }
0x47: {  	p0 =	sne.s32 s12, s8  }
.Ltmp4:
0x48: {  	_ = 	snop;
	(pc) =	sbr.rel @p0 .LBB2_1-.Ltmp4, $1  }
0x49: {  	_ =	sdelay $0x3  }
0x4a: {  	_ =	sfence.sel $0x180000  }
0x4b: {  	[bflag:$0x0] =	sbarrier.arrive $0xFFFF  }
0x4c: {  	p0 =	sne.s32 s5, $0x0;
	_ =	strace $0x90000047  }
0x4d: {  	s0 =	sadd.s32 @!p0 $0x100000, s0;
	[bflag:$0x2] =	sbarrier.arrive $0xFFFF  }
0x4e: {  	[sflag:s0] =	ssyncadd.tile.s32 @!p0 $0x1;
	_ =	shalt  }
.Lfunc_end2:
_tile_overlayer_lowered:
.L_overlay_start_2:
0x4f: {  	(tag) =	ssettag $0x2  }
0x50: {  	s0 =	rddreg [dreg:$0x0];
	s2 =	stileid.u32  }
0x51: {  	s1 =	rddreg [dreg:$0x1];
	p0 =	sne.s32 s2, $0x0  }
0x52: {  	s3 =	rddreg [dreg:$0x2];
	[bflag:$0x3] =	sbarrier.arrive $0xFFFF;
	s2 =	simm.s32 @!p0 $0x1C01  }
0x53: {  	[timem:s3], [sflag:s2] =	dma.local @!p0 [hbm:s0], s1  }
0x54: {  	s0 =	simm.s32 @!p0 $0x1  }
0x55: {  	_ =	swait.ge @!p0 [sflag:s0], s1  }
0x56: {  	s1 =	ssub.s32 @!p0 $0x0, s1;
	[sflag:s0] =	ssyncset.done @!p0 $0x0  }
0x57: {  	[sflag:s0] =	ssyncadd.s32 @!p0 s1  }
0x58: {  	[bflag:$0x3] =	sbarrier.arrive $0xFFFF  }
0x59: {  	_ =	shalt  }

// kernel: kernel.20.cloned.1.call-start
scs
__scs_entry_jumppad:
0x0: {  	(pc) =	sbr.rel $0x88, $3  }
0x1: {  	(tag) =	ssettag $0x0;
	lr =	simm.s32 $0x1  }
0x2: {  	[smem:$0x3F98] =	sst lr;
	_ =	strace $0xD0000000  }
0x3: {  	_ = 	snop  }
0x4: {  	_ = 	snop  }
0x5: {  	_ = 	snop  }
0x6: {  	_ = 	snop  }
0x7: {  	_ = 	snop  }
__scs_overlays_trampoline_lowered:
0x8: {  	[smem:$0x3FA7] =	sst s0  }
0x9: {  	[smem:$0x3FA8] =	sst s1  }
0xa: {  	[smem:$0x3FA9] =	sst s2  }
0xb: {  	[smem:$0x3FAA] =	sst s3  }
0xc: {  	[smem:$0x3FAB] =	sst s4  }
0xd: {  	[smem:$0x3FAC] =	sst s5  }
0xe: {  	[smem:$0x3FAD] =	sst s6  }
0xf: {  	[smem:$0x3FAE] =	sst s7  }
0x10: {  	[smem:$0x3FAF] =	sst s8  }
0x11: {  	[smem:$0x3FB0] =	sst s9;
	s0 =	simm.s32 @!p0 $0x0  }
0x12: {  	s1 =	sld [smem:$0x3F96];
	s0 =	simm.s32 @p0 $0x1  }
0x13: {  	[smem:$0x3FB1] =	sst s0;
	s0 =	simm.s32 @!p1 $0x0  }
0x14: {  	s2 =	sld [smem:$0x3F95];
	s0 =	simm.s32 @p1 $0x1  }
0x15: {  	[smem:$0x3FB2] =	sst s0;
	s0 =	simm.s32 @!p2 $0x0  }
0x16: {  	s3 =	sld [smem:$0x3FDB];
	s0 =	simm.s32 @p2 $0x1  }
0x17: {  	s4 =	simm.s32 $0x1BF5;
	[smem:$0x3FB4] =	sst s0  }
0x18: {  	s0 =	sld [smem:$0x3F97];
	_ =	swait.ge [sflag:s4], $0x0  }
0x19: {  	s7 =	sld [smem:$0x3F98]  }
0x1a: {  	s8 =	sadd.s32 $0xFFFFE003, lr  }
0x1b: {  	s9 =	sadd.s32 $0xFFFFFEF7, lr;
	s5 =	simm.s32 $0xFFFFFFFF;
	p2 =	slt.u32 s8, $0xFFFFF086  }
0x1c: {  	p1 =	slt.u32 s9, $0xF7A;
	s5 =	simm.s32 @!p2 $0x0  }
0x1d: {  	s5 =	simm.s32 @p1 $0x1;
	p0 =	seq.s32 s7, s2  }
0x1e: {  	s7 =	smul.u32 @!p0 $0xF7A, s2;
	p2 =	seq.s32 @!p0 s5, $0x0  }
0x1f: {  	s9 =	smul.u32 $0xF7A, s1;
	s8 =	simm.s32 @!p0 $0x1BF5;
	p2 =	por !p2, p0  }
0x20: {  	[sflag:s8] =	ssyncset.s32 @!p0 $0xFFFFF086;
	s6 =	sadd.s32 @!p0 s3, s7;
	s7 =	simm.s32 @!p0 $0x108  }
0x21: {  	s3 =	sadd.s32 s3, s9;
	s6 =	sadd.s32 @!p0 $0x88, s6;
	s7 =	simm.s32 @p2 $0x1082  }
0x22: {  	[simem:s7], [sflag:s8] =	dma.local @!p0 [hbm:s6], $0xF7A  }
0x23: {  	s9 =	sor.u32 $0xD0000000, s2;
	s6 =	simm.s32 $0x108;
	_ =	swait.ge @!p0 [sflag:s8], $0x0  }
0x24: {  	s3 =	sadd.s32 $0x88, s3;
	s6 =	simm.s32 @!p1 $0x1082;
	[sflag:s4] =	ssyncset.s32 $0xFFFFF086  }
0x25: {  	[simem:s6], [sflag:s4] =	dma.local [hbm:s3], $0xF7A  }
0x26: {  	[smem:$0x3F98] =	sst s1;
	(tag) =	ssettag s2;
	_ =	strace s9  }
0x27: {  	s1 =	sld [smem:$0x3FA8]  }
0x28: {  	s2 =	sld [smem:$0x3FA9]  }
0x29: {  	s4 =	sld [smem:$0x3FAB]  }
0x2a: {  	p0 =	seq.s32 s5, $0x0;
	s5 =	sld [smem:$0x3FAC]  }
0x2b: {  	s6 =	sld [smem:$0x3FAD]  }
0x2c: {  	s7 =	sld [smem:$0x3FAE]  }
0x2d: {  	s3 =	simm.s32 $0x108;
	s8 =	sld [smem:$0x3FAF]  }
0x2e: {  	s3 =	simm.s32 @!p0 $0x1082;
	s9 =	sld [smem:$0x3FB0]  }
0x2f: {  	lr =	sadd.s32 s0, s3;
	s0 =	sld [smem:$0x3FA7]  }
0x30: {  	s3 =	sld [smem:$0x3FAA]  }
0x31: {  	[smem:$0x3FB3] =	sst s10  }
0x32: {  	s10 =	sld [smem:$0x3FB1];
	_ =	sdelay $0x3  }
0x33: {  	p0 =	seq.s32 s10, $0x1;
	s10 =	sld [smem:$0x3FB3];
	_ =	sdelay $0x3  }
0x34: {  	[smem:$0x3FB3] =	sst s10  }
0x35: {  	s10 =	sld [smem:$0x3FB2];
	_ =	sdelay $0x3  }
0x36: {  	p1 =	seq.s32 s10, $0x1;
	s10 =	sld [smem:$0x3FB3];
	_ =	sdelay $0x3  }
0x37: {  	[smem:$0x3FB3] =	sst s10  }
0x38: {  	s10 =	sld [smem:$0x3FB4]  }
0x39: {  	_ = 	snop;
	(pc) =	sbr.ind lr, $3  }
0x3a: {  	_ = 	snop  }
0x3b: {  	_ = 	snop  }
0x3c: {  	p2 =	seq.s32 s10, $0x1;
	s10 =	sld [smem:$0x3FB3]  }
0x3d: {  	_ =	shalt  }
0x3e: {  	_ =	shalt  }
0x3f: {  	_ =	shalt  }
0x40: {  	_ =	shalt  }
0x41: {  	_ =	shalt  }
0x42: {  	_ =	shalt  }
0x43: {  	_ =	shalt  }
0x44: {  	_ =	shalt  }
0x45: {  	_ =	shalt  }
0x46: {  	_ =	shalt  }
0x47: {  	_ =	shalt  }
0x48: {  	_ =	shalt  }
0x49: {  	_ =	shalt  }
0x4a: {  	_ =	shalt  }
0x4b: {  	_ =	shalt  }
0x4c: {  	_ =	shalt  }
0x4d: {  	_ =	shalt  }
0x4e: {  	_ =	shalt  }
0x4f: {  	_ =	shalt  }
0x50: {  	_ =	shalt  }
0x51: {  	_ =	shalt  }
0x52: {  	_ =	shalt  }
0x53: {  	_ =	shalt  }
0x54: {  	_ =	shalt  }
0x55: {  	_ =	shalt  }
0x56: {  	_ =	shalt  }
0x57: {  	_ =	shalt  }
0x58: {  	_ =	shalt  }
0x59: {  	_ =	shalt  }
0x5a: {  	_ =	shalt  }
0x5b: {  	_ =	shalt  }
0x5c: {  	_ =	shalt  }
0x5d: {  	_ =	shalt  }
0x5e: {  	_ =	shalt  }
0x5f: {  	_ =	shalt  }
0x60: {  	_ =	shalt  }
0x61: {  	_ =	shalt  }
0x62: {  	_ =	shalt  }
0x63: {  	_ =	shalt  }
0x64: {  	_ =	shalt  }
0x65: {  	_ =	shalt  }
0x66: {  	_ =	shalt  }
0x67: {  	_ =	shalt  }
0x68: {  	_ =	shalt  }
0x69: {  	_ =	shalt  }
0x6a: {  	_ =	shalt  }
0x6b: {  	_ =	shalt  }
0x6c: {  	_ =	shalt  }
0x6d: {  	_ =	shalt  }
0x6e: {  	_ =	shalt  }
0x6f: {  	_ =	shalt  }
0x70: {  	_ =	shalt  }
0x71: {  	_ =	shalt  }
0x72: {  	_ =	shalt  }
0x73: {  	_ =	shalt  }
0x74: {  	_ =	shalt  }
0x75: {  	_ =	shalt  }
0x76: {  	_ =	shalt  }
0x77: {  	_ =	shalt  }
0x78: {  	_ =	shalt  }
0x79: {  	_ =	shalt  }
0x7a: {  	_ =	shalt  }
0x7b: {  	_ =	shalt  }
0x7c: {  	_ =	shalt  }
0x7d: {  	_ =	shalt  }
0x7e: {  	_ =	shalt  }
0x7f: {  	_ =	shalt  }
0x80: {  	_ =	shalt  }
0x81: {  	_ =	shalt  }
0x82: {  	_ =	shalt  }
0x83: {  	_ =	shalt  }
0x84: {  	_ =	shalt  }
0x85: {  	_ =	shalt  }
0x86: {  	_ =	shalt  }
0x87: {  	_ =	shalt  }
.Lfunc_end0:
.L_simem_size_0:
called_computation.1_lowered:
.L_overlay_start_0:
0x88: {  	s2 =	sld [smem:$0x3FD9]  }
0x89: {  	s3 =	sld [smem:$0x3FFE];
	_ =	sdelay $0x1  }
0x8a: {  	s1 =	srdreg.scid  }
0x8b: {  	s0 =	sand.u32 $0x1, s1  }
0x8c: {  	s14 =	sshll.u32 s0, $0xA;
	s2 =	sadd.s32 s3, s2  }
0x8d: {  	s2 =	sadd.s32 s2, s14  }
0x8e: {  	[smem:$0x3FBF] =	sst s2  }
0x8f: {  	_ = 	snop  }
0x90: {  	s2 =	sld [smem:$0x3FD0];
	_ =	sdelay $0x2  }
0x91: {  	s15 =	simm.s32 $0xA;
	s4 =	simm.s32 $0x10  }
0x92: {  	[smem:s4], [sflag:s15] =	dma.local [hbm:s2], $0x1  }
0x93: {  	_ =	swait.eq [sflag:s15], $0x1  }
0x94: {  	[sflag:s15] =	ssyncset.done $0x0  }
0x95: {  	s16 =	sld [smem:$0x10];
	[sflag:s15] =	ssyncadd.s32 $0xFFFFFFFF  }
0x96: {  	s17 =	sld [smem:$0x11];
	(tm) =	ssettm $0x1  }
0x97: {  	s18 =	sld [smem:$0x3FFB];
	_ =	sdelay $0x3  }
0x98: {  	_ =	strace s18  }
0x99: {  	s4 =	sld [smem:$0x3FFC];
	_ =	sdelay $0x3  }
0x9a: {  	_ =	strace s4  }
0x9b: {  	s4 =	sld [smem:$0x3FFD];
	_ =	sdelay $0x3  }
0x9c: {  	_ =	strace s4  }
0x9d: {  	_ =	strace $0x8FFFFFFF  }
0x9e: {  	s19 =	sld [smem:$0x3FDB];
	_ =	sdelay $0x1  }
0x9f: {  	s5 =	simm.s32 $_scs_section_size  }
0xa0: {  	s6 =	simm.s32 $_size__tile_overlayer_lowered;
	s7 =	simm.s32 $_tile_overlayer_lowered  }
0xa1: {  	s22 =	simm.s32 $0x1BFF;
	s21 =	sshll.u32 s7, $0x1;
	s4 =	sadd.s32 s5, s19  }
0xa2: {  	s8 =	simm.s32 $0x0;
	s20 =	sshll.u32 s6, $0x1;
	s6 =	sadd.s32 s21, s4  }
0xa3: {  	[timem:s8], [sflag:s22] =	dma.local [hbm:s6], s20  }
0xa4: {  	_ =	swait.ge [sflag:s22], s20  }
0xa5: {  	s5 =	ssub.s32 $0x0, s20;
	[sflag:s22] =	ssyncset.done $0x0  }
0xa6: {  	[sflag:s22] =	ssyncadd.s32 s5;
	_ =	sdelay $0x1  }
0xa7: {  	s23 =	simm.s32 $0x1B8B  }
0xa8: {  	_ =	swait.ge [sflag:s23], $0x1  }
0xa9: {  	[sflag:s23] =	ssyncset.done $0x0  }
0xaa: {  	s25 =	simm.s32 $0x1B8E;
	s24 =	sld [smem:$0x3FFE];
	[sflag:s23] =	ssyncadd.s32 $0xFFFFFFFF  }
0xab: {  	s26 =	simm.s32 $execute0_lowered;
	[smem:$0x3FD2] =	sst s25  }
0xac: {  	s6 =	sshll.u32 s26, $0x1;
	_ =	strace $0x80000049;
	[dreg:$0x1] =	wrdreg $0xFFFFFFFF  }
0xad: {  	s28 =	simm.s32 $_size_execute0_lowered;
	s4 =	sadd.s32 s4, s6;
	[dreg:$0x0] =	wrdreg $0x0  }
0xae: {  	s6 =	sshll.u32 s28, $0x1;
	[dreg:$0x2] =	wrdreg s4  }
0xaf: {  	[dreg:$0x3] =	wrdreg s6  }
0xb0: {  	[dreg:$0x4] =	wrdreg $0xC0  }
0xb1: {  	_ =	task [dreg:s8], $0x5FFFF  }
0xb2: {  	[dreg:$0x1] =	wrdreg $0xFFFFFFFF  }
0xb3: {  	[dreg:$0x0] =	wrdreg $0x60  }
0xb4: {  	[dreg:$0x2] =	wrdreg s17  }
0xb5: {  	[dreg:$0x3] =	wrdreg s24  }
0xb6: {  	[dreg:$0x4] =	wrdreg s16  }
0xb7: {  	[dreg:$0x5] =	wrdreg $0x9  }
0xb8: {  	_ =	task.clear_ibuf [dreg:s8], $0x6FFFF;
	_ =	strace $0x90000049  }
0xb9: {  	s29 =	simm.s32 $0x9;
	_ =	strace $0x8000004B  }
0xba: {  	_ =	swait.ge [sflag:s29], $0x1  }
0xbb: {  	[sflag:s29] =	ssyncadd.s32 $0xFFFFFFFF  }
0xbc: {  	_ =	strace $0x9000004B  }
0xbd: {  	_ =	sfence  }
0xbe: {  	s30 =	sld [smem:$0x0];
	_ =	sdelay $0x2  }
0xbf: {  	s31 =	sshll.u32 s1, $0xD;
	s1 =	sshrl.u32 s1, $0x2  }
0xc0: {  	s3 =	sand.u32 $0x4000, s31;
	s1 =	sadd.s32 s1, s30  }
0xc1: {  	s0 =	sor.u32 s3, s0;
	s1 =	sshll.u32 s1, $0x11  }
0xc2: {  	s0 =	sor.u32 s1, s0  }
0xc3: {  	s0 =	sadd.s32 $0x8F2B, s0  }
0xc4: {  	[sflag:s0] =	ssyncadd.remote.s32 $0x1  }
0xc5: {  	_ =	sfence.sel $0xFFFF  }
0xc6: {  	[dreg:$0x0] =	wrdreg $0xFFFFFFFF;
	(pc) =	sbr.abs _section_cstart, $3  }
0xc7: {  	[dreg:$0x1] =	wrdreg $0xFFFFFFFF  }
0xc8: {  	_ =	task.clear_ibuf [dreg:s8], $0x2FFFF;
	_ =	strace $0x9FFFFFFF  }
0xc9: {  	(tm) =	ssettm $0x7FFFFFFF  }
tec
execute0_lowered:
.L_overlay_start_1:
0x0: {  	(tag) =	ssettag $0x1  }
0x1: {  	s0 =	srdreg.scid  }
0x2: {  	s5 =	sand.u32 $0x1, s0;
	s0 =	stileid.u32  }
0x3: {  	s6 =	sshll.u32 s0, $0x1;
	s7 =	ssub.s32 $0x0, s5  }
0x4: {  	p0 =	sne.s32 s6, s7  }
.Ltmp0:
0x5: {  	_ = 	snop;
	(pc) =	sbr.rel @p0 .LBB2_7-.Ltmp0, $4  }
0x6: {  	s1 =	rddreg [dreg:$0x0]  }
0x7: {  	s3 =	rddreg [dreg:$0x1]  }
0x8: {  	s4 =	rddreg [dreg:$0x2]  }
0x9: {  	s2 =	rddreg [dreg:$0x3];
	_ =	strace $0x8000004A  }
0xa: {  	s5 =	ssub.s32 $0x2, s5;
	s7 =	simm.s32 $0x0  }
0xb: {  	s8 =	simm.s32 $0x1;
	s9 =	simm.s32 $0x1400;
	s6 =	sshrl.u32 s5, $0x1  }
0xc: {  	s10 =	simm.s32 $0x2800;
	s11 =	simm.s32 $0x5000;
	s6 =	ssub.s32 s5, s6  }
0xd: {  	v0 =	vimm.f32 $0.0e+00;
	v1 =	vimm.f32 $1.000000000e+00;
	s12 =	simm.s32 $0x0;
	s5 =	sadd.s32 $0x400, s3;
	s6 =	smax.u32 s6, $0x1  }
.LBB2_2:
0xe: {  	[tilespmem:s7], [sflag:$0x1] =	stream.linear.gather [hbm4b:s1+s7], $0x1400, $0x38;
	[tilespmem:$0x7800] =	vst v63  }
0xf: {  	_ =	swait.ge [sflag:s8], $0x1400  }
0x10: {  	[sflag:s8] =	ssyncset.done $0x0  }
0x11: {  	[sflag:s8] =	ssyncadd.s32 $0xFFFFEC00  }
0x12: {  	[tilespmem:s9], [sflag:$0x1] =	stream.linear.gather [hbm4b:s3+s7], $0x1400, $0x38;
	[tilespmem:$0x7800] =	vst v63  }
0x13: {  	_ =	swait.ge [sflag:s8], $0x1400  }
0x14: {  	[sflag:s8] =	ssyncset.done $0x0  }
0x15: {  	s13 =	simm.s32 $0x0;
	[sflag:s8] =	ssyncadd.s32 $0xFFFFEC00  }
.LBB2_3:
0x16: {  	p0 =	sne.s32 s13, $0x9FC0  }
.Ltmp1:
0x17: {  	_ = 	snop;
	(pc) =	sbr.rel @p0 .LBB2_3-.Ltmp1, $4  }
0x18: {  	_ = 	snop  }
0x19: {  	s14 =	sshra.s32 s13, $0x2  }
0x1a: {  	[tilespmem:s14+$0x2800] =	vst v0  }
0x1b: {  	s13 =	sadd.s32 $0x40, s13;
	[tilespmem:s14+$0x5000] =	vst v0  }
0x1c: {  	s14 =	simm.s32 $0x0  }
0x1d: {  	s13 =	simm.s32 $0x40;
	v2 =	vld [tilespmem:s14+$0x0]  }
.LBB2_5:
0x1e: {  	p0 =	sne.s32 s13, $0x4FC0;
	_ =	sdelay $0x2  }
0x1f: {  	v3 =	vld [tilespmem:s14+$0x1400];
	_ =	sdelay $0x1  }
.Ltmp2:
0x20: {  	(pc) =	sbr.rel @p0 .LBB2_5-.Ltmp2, $4  }
0x21: {  	_ = 	snop  }
0x22: {  	[tilespmem:v2+s10+$0x0] =	vst.idx.msk $0xffff, v1  }
0x23: {  	s14 =	sshra.s32 s13, $0x2;
	[tilespmem:v2+s11+$0x0] =	vst.idx.msk $0xffff, v3  }
0x24: {  	s13 =	sadd.s32 $0x40, s13;
	v2 =	vld [tilespmem:s14+$0x0]  }
0x25: {  	_ =	sdelay $0x3  }
0x26: {  	v3 =	vld [tilespmem:s14+$0x1400];
	_ =	sdelay $0x3  }
0x27: {  	[tilespmem:v2+s10+$0x0] =	vst.idx.msk $0xffff, v1  }
0x28: {  	[tilespmem:v2+s11+$0x0] =	vst.idx.msk $0xffff, v3  }
0x29: {  	[hbm4b:s4+s7] =	stream.linear.scatter [tilespmem:s10], [sflag:$0x1], $0x2800, $0x38;
	[tilespmem:$0x7800] =	vst v63  }
0x2a: {  	s12 =	sadd.s32 $0x1, s12;
	_ =	swait.ge [sflag:s8], $0x2800  }
0x2b: {  	p0 =	sne.s32 s12, s6;
	[sflag:s8] =	ssyncset.done $0x0  }
.Ltmp3:
0x2c: {  	[sflag:s8] =	ssyncadd.s32 $0xFFFFD800;
	(pc) =	sbr.rel @p0 .LBB2_2-.Ltmp3, $4  }
0x2d: {  	[hbm4b:s5+s7] =	stream.linear.scatter [tilespmem:s11], [sflag:$0x1], $0x2800, $0x38;
	[tilespmem:$0x7800] =	vst v63  }
0x2e: {  	_ =	swait.ge [sflag:s8], $0x2800  }
0x2f: {  	[sflag:s8] =	ssyncset.done $0x0  }
0x30: {  	[sflag:s8] =	ssyncadd.s32 $0xFFFFD800  }
.LBB2_7:
0x31: {  	_ =	sfence.sel $0x180000  }
0x32: {  	[bflag:$0x0] =	sbarrier.arrive $0xFFFF  }
0x33: {  	p0 =	sne.s32 s0, $0x0;
	_ =	strace $0x9000004A  }
0x34: {  	s0 =	sadd.s32 @!p0 $0x100000, s2;
	[bflag:$0x2] =	sbarrier.arrive $0xFFFF  }
0x35: {  	[sflag:s0] =	ssyncadd.tile.s32 @!p0 $0x1;
	_ =	shalt  }
.Lfunc_end2:
_tile_overlayer_lowered:
.L_overlay_start_2:
0x36: {  	(tag) =	ssettag $0x2  }
0x37: {  	s0 =	rddreg [dreg:$0x0];
	s2 =	stileid.u32  }
0x38: {  	s1 =	rddreg [dreg:$0x1];
	p0 =	sne.s32 s2, $0x0  }
0x39: {  	s3 =	rddreg [dreg:$0x2];
	[bflag:$0x3] =	sbarrier.arrive $0xFFFF;
	s2 =	simm.s32 @!p0 $0x1C01  }
0x3a: {  	[timem:s3], [sflag:s2] =	dma.local @!p0 [hbm:s0], s1  }
0x3b: {  	s0 =	simm.s32 @!p0 $0x1  }
0x3c: {  	_ =	swait.ge @!p0 [sflag:s0], s1  }
0x3d: {  	s1 =	ssub.s32 @!p0 $0x0, s1;
	[sflag:s0] =	ssyncset.done @!p0 $0x0  }
0x3e: {  	[sflag:s0] =	ssyncadd.s32 @!p0 s1  }
0x3f: {  	[bflag:$0x3] =	sbarrier.arrive $0xFFFF  }
0x40: {  	_ =	shalt  }

// kernel: kernel.23.cloned.1.call-start
scs
__scs_entry_jumppad:
0x0: {  	(pc) =	sbr.rel $0x88, $3  }
0x1: {  	(tag) =	ssettag $0x0;
	lr =	simm.s32 $0x1  }
0x2: {  	[smem:$0x3F98] =	sst lr;
	_ =	strace $0xD0000000  }
0x3: {  	_ = 	snop  }
0x4: {  	_ = 	snop  }
0x5: {  	_ = 	snop  }
0x6: {  	_ = 	snop  }
0x7: {  	_ = 	snop  }
__scs_overlays_trampoline_lowered:
0x8: {  	[smem:$0x3FA7] =	sst s0  }
0x9: {  	[smem:$0x3FA8] =	sst s1  }
0xa: {  	[smem:$0x3FA9] =	sst s2  }
0xb: {  	[smem:$0x3FAA] =	sst s3  }
0xc: {  	[smem:$0x3FAB] =	sst s4  }
0xd: {  	[smem:$0x3FAC] =	sst s5  }
0xe: {  	[smem:$0x3FAD] =	sst s6  }
0xf: {  	[smem:$0x3FAE] =	sst s7  }
0x10: {  	[smem:$0x3FAF] =	sst s8  }
0x11: {  	[smem:$0x3FB0] =	sst s9;
	s0 =	simm.s32 @!p0 $0x0  }
0x12: {  	s1 =	sld [smem:$0x3F96];
	s0 =	simm.s32 @p0 $0x1  }
0x13: {  	[smem:$0x3FB1] =	sst s0;
	s0 =	simm.s32 @!p1 $0x0  }
0x14: {  	s2 =	sld [smem:$0x3F95];
	s0 =	simm.s32 @p1 $0x1  }
0x15: {  	[smem:$0x3FB2] =	sst s0;
	s0 =	simm.s32 @!p2 $0x0  }
0x16: {  	s3 =	sld [smem:$0x3FDB];
	s0 =	simm.s32 @p2 $0x1  }
0x17: {  	s4 =	simm.s32 $0x1BF5;
	[smem:$0x3FB4] =	sst s0  }
0x18: {  	s0 =	sld [smem:$0x3F97];
	_ =	swait.ge [sflag:s4], $0x0  }
0x19: {  	s7 =	sld [smem:$0x3F98]  }
0x1a: {  	s8 =	sadd.s32 $0xFFFFE003, lr  }
0x1b: {  	s9 =	sadd.s32 $0xFFFFFEF7, lr;
	s5 =	simm.s32 $0xFFFFFFFF;
	p2 =	slt.u32 s8, $0xFFFFF086  }
0x1c: {  	p1 =	slt.u32 s9, $0xF7A;
	s5 =	simm.s32 @!p2 $0x0  }
0x1d: {  	s5 =	simm.s32 @p1 $0x1;
	p0 =	seq.s32 s7, s2  }
0x1e: {  	s7 =	smul.u32 @!p0 $0xF7A, s2;
	p2 =	seq.s32 @!p0 s5, $0x0  }
0x1f: {  	s9 =	smul.u32 $0xF7A, s1;
	s8 =	simm.s32 @!p0 $0x1BF5;
	p2 =	por !p2, p0  }
0x20: {  	[sflag:s8] =	ssyncset.s32 @!p0 $0xFFFFF086;
	s6 =	sadd.s32 @!p0 s3, s7;
	s7 =	simm.s32 @!p0 $0x108  }
0x21: {  	s3 =	sadd.s32 s3, s9;
	s6 =	sadd.s32 @!p0 $0x88, s6;
	s7 =	simm.s32 @p2 $0x1082  }
0x22: {  	[simem:s7], [sflag:s8] =	dma.local @!p0 [hbm:s6], $0xF7A  }
0x23: {  	s9 =	sor.u32 $0xD0000000, s2;
	s6 =	simm.s32 $0x108;
	_ =	swait.ge @!p0 [sflag:s8], $0x0  }
0x24: {  	s3 =	sadd.s32 $0x88, s3;
	s6 =	simm.s32 @!p1 $0x1082;
	[sflag:s4] =	ssyncset.s32 $0xFFFFF086  }
0x25: {  	[simem:s6], [sflag:s4] =	dma.local [hbm:s3], $0xF7A  }
0x26: {  	[smem:$0x3F98] =	sst s1;
	(tag) =	ssettag s2;
	_ =	strace s9  }
0x27: {  	s1 =	sld [smem:$0x3FA8]  }
0x28: {  	s2 =	sld [smem:$0x3FA9]  }
0x29: {  	s4 =	sld [smem:$0x3FAB]  }
0x2a: {  	p0 =	seq.s32 s5, $0x0;
	s5 =	sld [smem:$0x3FAC]  }
0x2b: {  	s6 =	sld [smem:$0x3FAD]  }
0x2c: {  	s7 =	sld [smem:$0x3FAE]  }
0x2d: {  	s3 =	simm.s32 $0x108;
	s8 =	sld [smem:$0x3FAF]  }
0x2e: {  	s3 =	simm.s32 @!p0 $0x1082;
	s9 =	sld [smem:$0x3FB0]  }
0x2f: {  	lr =	sadd.s32 s0, s3;
	s0 =	sld [smem:$0x3FA7]  }
0x30: {  	s3 =	sld [smem:$0x3FAA]  }
0x31: {  	[smem:$0x3FB3] =	sst s10  }
0x32: {  	s10 =	sld [smem:$0x3FB1];
	_ =	sdelay $0x3  }
0x33: {  	p0 =	seq.s32 s10, $0x1;
	s10 =	sld [smem:$0x3FB3];
	_ =	sdelay $0x3  }
0x34: {  	[smem:$0x3FB3] =	sst s10  }
0x35: {  	s10 =	sld [smem:$0x3FB2];
	_ =	sdelay $0x3  }
0x36: {  	p1 =	seq.s32 s10, $0x1;
	s10 =	sld [smem:$0x3FB3];
	_ =	sdelay $0x3  }
0x37: {  	[smem:$0x3FB3] =	sst s10  }
0x38: {  	s10 =	sld [smem:$0x3FB4]  }
0x39: {  	_ = 	snop;
	(pc) =	sbr.ind lr, $3  }
0x3a: {  	_ = 	snop  }
0x3b: {  	_ = 	snop  }
0x3c: {  	p2 =	seq.s32 s10, $0x1;
	s10 =	sld [smem:$0x3FB3]  }
0x3d: {  	_ =	shalt  }
0x3e: {  	_ =	shalt  }
0x3f: {  	_ =	shalt  }
0x40: {  	_ =	shalt  }
0x41: {  	_ =	shalt  }
0x42: {  	_ =	shalt  }
0x43: {  	_ =	shalt  }
0x44: {  	_ =	shalt  }
0x45: {  	_ =	shalt  }
0x46: {  	_ =	shalt  }
0x47: {  	_ =	shalt  }
0x48: {  	_ =	shalt  }
0x49: {  	_ =	shalt  }
0x4a: {  	_ =	shalt  }
0x4b: {  	_ =	shalt  }
0x4c: {  	_ =	shalt  }
0x4d: {  	_ =	shalt  }
0x4e: {  	_ =	shalt  }
0x4f: {  	_ =	shalt  }
0x50: {  	_ =	shalt  }
0x51: {  	_ =	shalt  }
0x52: {  	_ =	shalt  }
0x53: {  	_ =	shalt  }
0x54: {  	_ =	shalt  }
0x55: {  	_ =	shalt  }
0x56: {  	_ =	shalt  }
0x57: {  	_ =	shalt  }
0x58: {  	_ =	shalt  }
0x59: {  	_ =	shalt  }
0x5a: {  	_ =	shalt  }
0x5b: {  	_ =	shalt  }
0x5c: {  	_ =	shalt  }
0x5d: {  	_ =	shalt  }
0x5e: {  	_ =	shalt  }
0x5f: {  	_ =	shalt  }
0x60: {  	_ =	shalt  }
0x61: {  	_ =	shalt  }
0x62: {  	_ =	shalt  }
0x63: {  	_ =	shalt  }
0x64: {  	_ =	shalt  }
0x65: {  	_ =	shalt  }
0x66: {  	_ =	shalt  }
0x67: {  	_ =	shalt  }
0x68: {  	_ =	shalt  }
0x69: {  	_ =	shalt  }
0x6a: {  	_ =	shalt  }
0x6b: {  	_ =	shalt  }
0x6c: {  	_ =	shalt  }
0x6d: {  	_ =	shalt  }
0x6e: {  	_ =	shalt  }
0x6f: {  	_ =	shalt  }
0x70: {  	_ =	shalt  }
0x71: {  	_ =	shalt  }
0x72: {  	_ =	shalt  }
0x73: {  	_ =	shalt  }
0x74: {  	_ =	shalt  }
0x75: {  	_ =	shalt  }
0x76: {  	_ =	shalt  }
0x77: {  	_ =	shalt  }
0x78: {  	_ =	shalt  }
0x79: {  	_ =	shalt  }
0x7a: {  	_ =	shalt  }
0x7b: {  	_ =	shalt  }
0x7c: {  	_ =	shalt  }
0x7d: {  	_ =	shalt  }
0x7e: {  	_ =	shalt  }
0x7f: {  	_ =	shalt  }
0x80: {  	_ =	shalt  }
0x81: {  	_ =	shalt  }
0x82: {  	_ =	shalt  }
0x83: {  	_ =	shalt  }
0x84: {  	_ =	shalt  }
0x85: {  	_ =	shalt  }
0x86: {  	_ =	shalt  }
0x87: {  	_ =	shalt  }
.Lfunc_end0:
.L_simem_size_0:
called_computation.2_lowered:
.L_overlay_start_0:
0x88: {  	s2 =	sld [smem:$0x3FD9]  }
0x89: {  	s3 =	sld [smem:$0x3FFE];
	_ =	sdelay $0x1  }
0x8a: {  	s1 =	srdreg.scid  }
0x8b: {  	s0 =	sand.u32 $0x1, s1  }
0x8c: {  	s14 =	sshll.u32 s0, $0xA;
	s2 =	sadd.s32 s3, s2  }
0x8d: {  	s2 =	sadd.s32 s2, s14  }
0x8e: {  	[smem:$0x3FBF] =	sst s2  }
0x8f: {  	_ = 	snop  }
0x90: {  	s2 =	sld [smem:$0x3FD0];
	_ =	sdelay $0x2  }
0x91: {  	s15 =	simm.s32 $0xA;
	s4 =	simm.s32 $0x10  }
0x92: {  	[smem:s4], [sflag:s15] =	dma.local [hbm:s2], $0x1  }
0x93: {  	_ =	swait.eq [sflag:s15], $0x1  }
0x94: {  	[sflag:s15] =	ssyncset.done $0x0  }
0x95: {  	[sflag:s15] =	ssyncadd.s32 $0xFFFFFFFF  }
0x96: {  	s16 =	sld [smem:$0x11];
	(tm) =	ssettm $0x1  }
0x97: {  	s17 =	sld [smem:$0x3FFB];
	_ =	sdelay $0x3  }
0x98: {  	_ =	strace s17  }
0x99: {  	s3 =	sld [smem:$0x3FFC];
	_ =	sdelay $0x3  }
0x9a: {  	_ =	strace s3  }
0x9b: {  	s3 =	sld [smem:$0x3FFD];
	_ =	sdelay $0x3  }
0x9c: {  	_ =	strace s3  }
0x9d: {  	_ =	strace $0x8FFFFFFF  }
0x9e: {  	s18 =	sld [smem:$0x3FDB];
	_ =	sdelay $0x1  }
0x9f: {  	s19 =	simm.s32 $_scs_section_size  }
0xa0: {  	s5 =	simm.s32 $_size__tile_overlayer_lowered;
	s6 =	simm.s32 $_tile_overlayer_lowered  }
0xa1: {  	s22 =	simm.s32 $0x1BFF;
	s21 =	sshll.u32 s6, $0x1;
	s3 =	sadd.s32 s19, s18  }
0xa2: {  	s7 =	simm.s32 $0x0;
	s20 =	sshll.u32 s5, $0x1;
	s5 =	sadd.s32 s21, s3  }
0xa3: {  	[timem:s7], [sflag:s22] =	dma.local [hbm:s5], s20  }
0xa4: {  	_ =	swait.ge [sflag:s22], s20  }
0xa5: {  	s4 =	ssub.s32 $0x0, s20;
	[sflag:s22] =	ssyncset.done $0x0  }
0xa6: {  	[sflag:s22] =	ssyncadd.s32 s4;
	_ =	sdelay $0x1  }
0xa7: {  	s23 =	simm.s32 $0x1B8B  }
0xa8: {  	_ =	swait.ge [sflag:s23], $0x1  }
0xa9: {  	[sflag:s23] =	ssyncset.done $0x0  }
0xaa: {  	s25 =	simm.s32 $0x1B8E;
	s24 =	sld [smem:$0x3FFE];
	[sflag:s23] =	ssyncadd.s32 $0xFFFFFFFF  }
0xab: {  	s26 =	simm.s32 $execute0_lowered;
	[smem:$0x3FD2] =	sst s25  }
0xac: {  	s5 =	sshll.u32 s26, $0x1;
	_ =	strace $0x8000004C;
	[dreg:$0x1] =	wrdreg $0xFFFFFFFF  }
0xad: {  	s28 =	simm.s32 $_size_execute0_lowered;
	s3 =	sadd.s32 s3, s5;
	[dreg:$0x0] =	wrdreg $0x0  }
0xae: {  	s5 =	sshll.u32 s28, $0x1;
	[dreg:$0x2] =	wrdreg s3  }
0xaf: {  	[dreg:$0x3] =	wrdreg s5  }
0xb0: {  	[dreg:$0x4] =	wrdreg $0xC0  }
0xb1: {  	_ =	task [dreg:s7], $0x5FFFF  }
0xb2: {  	[dreg:$0x1] =	wrdreg $0xFFFFFFFF  }
0xb3: {  	[dreg:$0x0] =	wrdreg $0x60  }
0xb4: {  	[dreg:$0x2] =	wrdreg s24  }
0xb5: {  	[dreg:$0x3] =	wrdreg s16  }
0xb6: {  	[dreg:$0x4] =	wrdreg $0x9  }
0xb7: {  	_ =	task.clear_ibuf [dreg:s7], $0x5FFFF;
	_ =	strace $0x9000004C  }
0xb8: {  	s29 =	simm.s32 $0x9;
	_ =	strace $0x8000004E  }
0xb9: {  	_ =	swait.ge [sflag:s29], $0x1  }
0xba: {  	[sflag:s29] =	ssyncadd.s32 $0xFFFFFFFF  }
0xbb: {  	_ =	strace $0x9000004E  }
0xbc: {  	_ =	sfence  }
0xbd: {  	s30 =	sld [smem:$0x0];
	_ =	sdelay $0x2  }
0xbe: {  	s31 =	sshll.u32 s1, $0xD;
	s1 =	sshrl.u32 s1, $0x2  }
0xbf: {  	s3 =	sand.u32 $0x4000, s31;
	s1 =	sadd.s32 s1, s30  }
0xc0: {  	s0 =	sor.u32 s3, s0;
	s1 =	sshll.u32 s1, $0x11  }
0xc1: {  	s0 =	sor.u32 s1, s0  }
0xc2: {  	s0 =	sadd.s32 $0x8F2B, s0  }
0xc3: {  	[sflag:s0] =	ssyncadd.remote.s32 $0x1  }
0xc4: {  	_ =	sfence.sel $0xFFFF  }
0xc5: {  	[dreg:$0x0] =	wrdreg $0xFFFFFFFF;
	(pc) =	sbr.abs _section_cstart, $3  }
0xc6: {  	[dreg:$0x1] =	wrdreg $0xFFFFFFFF  }
0xc7: {  	_ =	task.clear_ibuf [dreg:s7], $0x2FFFF;
	_ =	strace $0x9FFFFFFF  }
0xc8: {  	(tm) =	ssettm $0x7FFFFFFF  }
0xc9: {  	_ =	shalt  }
tec
execute0_lowered:
.L_overlay_start_1:
0x0: {  	(tag) =	ssettag $0x1  }
0x1: {  	s1 =	srdreg.scid;
	s0 =	stileid.u32  }
0x2: {  	s2 =	rddreg [dreg:$0x0];
	s9 =	sand.u32 $0x1, s1;
	s31 =	sshll.u32 s0, $0x1  }
0x3: {  	s4 =	rddreg [dreg:$0x1];
	s10 =	sor.u32 s9, s31  }
0x4: {  	s3 =	simm.s32 $0x0;
	s1 =	rddreg [dreg:$0x2];
	s5 =	smul.u32 $0x14, s10  }
0x5: {  	[smem:$0x7FF] =	sst s3  }
0x6: {  	_ =	strace $0x8000004D;
	s5 =	sadd.s32 s4, s5;
	s4 =	simm.s32 $0x2  }
0x7: {  	[tilespmem:s3], [sflag:$0x2] =	stream.linear.gather [hbm4b:s5+s3], $0xA0, $0x38;
	[tilespmem:$0x5100] =	vst v63  }
0x8: {  	_ =	swait.ge [sflag:s4], $0xA0  }
0x9: {  	s6 =	simm.s32 $0x50;
	s7 =	simm.s32 $0x100;
	[sflag:s4] =	ssyncset.done $0x0  }
0xa: {  	s8 =	simm.s32 $0x1;
	s11 =	ssub.s32 $0x2, s9;
	[sflag:s4] =	ssyncadd.s32 $0xFFFFFF60  }
0xb: {  	[tilespmem:s7], [sflag:$0x1] =	stream.indirect.gather [hbm4b:s2+s6], $0x80, s3, s6, $0xb8;
	[tilespmem:$0x5100] =	vst v63  }
0xc: {  	s12 =	sshrl.u32 s11, $0x1;
	_ =	swait.ge [sflag:s8], $0x2800  }
0xd: {  	s9 =	simm.s32 $0x2900;
	s11 =	ssub.s32 s11, s12;
	[sflag:s8] =	ssyncset.done $0x0  }
0xe: {  	s10 =	smul.u32 $0xA00, s10;
	s11 =	smax.u32 s11, $0x1;
	[sflag:s8] =	ssyncadd.s32 $0xFFFFD800  }
0xf: {  	[tilespmem:s9], [sflag:$0x1] =	stream.indirect.gather [hbm4b:s2+s6], $0x80, s6, s6, $0xb8;
	[tilespmem:$0x5100] =	vst v63  }
0x10: {  	p0 =	sne.s32 s11, $0x1;
	_ =	swait.ge [sflag:s8], $0x2800  }
.Ltmp0:
0x11: {  	s10 =	sadd.s32 s10, s2;
	[sflag:s8] =	ssyncset.done $0x0;
	(pc) =	sbr.rel @!p0 .LBB2_2-.Ltmp0, $4  }
0x12: {  	s10 =	sadd.s32 $0x28000, s10;
	[sflag:s8] =	ssyncadd.s32 $0xFFFFD800  }
0x13: {  	[hbm4b:s10+s3] =	stream.linear.scatter [tilespmem:s7], [sflag:$0x2], $0x5000, $0x38;
	[tilespmem:$0x5100] =	vst v63  }
0x14: {  	_ =	swait.ge [sflag:s4], $0x5000  }
0x15: {  	s11 =	sadd.s32 $0xFFFFFFFF, s11;
	[sflag:s4] =	ssyncset.done $0x0  }
.LBB2_1:
0x16: {  	p0 =	sne.s32 s11, $0x1;
	s11 =	sadd.s32 $0xFFFFFFFF, s11;
	[sflag:s4] =	ssyncadd.s32 $0xFFFFB000  }
0x17: {  	[tilespmem:s3], [sflag:$0x2] =	stream.linear.gather [hbm4b:s5+s3], $0xA0, $0x38;
	[tilespmem:$0x5100] =	vst v63  }
0x18: {  	_ =	swait.ge [sflag:s4], $0xA0  }
0x19: {  	[sflag:s4] =	ssyncset.done $0x0  }
0x1a: {  	[sflag:s4] =	ssyncadd.s32 $0xFFFFFF60  }
0x1b: {  	[tilespmem:s7], [sflag:$0x1] =	stream.indirect.gather [hbm4b:s2+s6], $0x80, s3, s6, $0xb8;
	[tilespmem:$0x5100] =	vst v63  }
0x1c: {  	_ =	swait.ge [sflag:s8], $0x2800  }
0x1d: {  	[sflag:s8] =	ssyncset.done $0x0  }
0x1e: {  	[sflag:s8] =	ssyncadd.s32 $0xFFFFD800  }
0x1f: {  	[tilespmem:s9], [sflag:$0x1] =	stream.indirect.gather [hbm4b:s2+s6], $0x80, s6, s6, $0xb8;
	[tilespmem:$0x5100] =	vst v63  }
0x20: {  	_ =	swait.ge [sflag:s8], $0x2800  }
.Ltmp1:
0x21: {  	[sflag:s8] =	ssyncset.done $0x0;
	(pc) =	sbr.rel @p0 .LBB2_1-.Ltmp1, $4  }
0x22: {  	[sflag:s8] =	ssyncadd.s32 $0xFFFFD800  }
0x23: {  	[hbm4b:s10+s3] =	stream.linear.scatter [tilespmem:s7], [sflag:$0x2], $0x5000, $0x38;
	[tilespmem:$0x5100] =	vst v63  }
0x24: {  	_ =	swait.ge [sflag:s4], $0x5000  }
0x25: {  	[sflag:s4] =	ssyncset.done $0x0  }
.LBB2_2:
0x26: {  	[sflag:s4] =	ssyncadd.s32 $0xFFFFB000  }
0x27: {  	_ =	sfence.sel $0x180000  }
0x28: {  	[bflag:$0x0] =	sbarrier.arrive $0xFFFF  }
0x29: {  	p0 =	sne.s32 s0, $0x0;
	_ =	strace $0x9000004D  }
0x2a: {  	s0 =	sadd.s32 @!p0 $0x100000, s1;
	[bflag:$0x2] =	sbarrier.arrive $0xFFFF  }
0x2b: {  	[sflag:s0] =	ssyncadd.tile.s32 @!p0 $0x1;
	_ =	shalt  }
.Lfunc_end2:
_tile_overlayer_lowered:
.L_overlay_start_2:
0x2c: {  	(tag) =	ssettag $0x2  }
0x2d: {  	s0 =	rddreg [dreg:$0x0];
	s2 =	stileid.u32  }
0x2e: {  	s1 =	rddreg [dreg:$0x1];
	p0 =	sne.s32 s2, $0x0  }
0x2f: {  	s3 =	rddreg [dreg:$0x2];
	[bflag:$0x3] =	sbarrier.arrive $0xFFFF;
	s2 =	simm.s32 @!p0 $0x1C02  }
0x30: {  	[timem:s3], [sflag:s2] =	dma.local @!p0 [hbm:s0], s1  }
0x31: {  	s0 =	simm.s32 @!p0 $0x2  }
0x32: {  	_ =	swait.ge @!p0 [sflag:s0], s1  }
0x33: {  	s1 =	ssub.s32 @!p0 $0x0, s1;
	[sflag:s0] =	ssyncset.done @!p0 $0x0  }
0x34: {  	[sflag:s0] =	ssyncadd.s32 @!p0 s1  }
0x35: {  	[bflag:$0x3] =	sbarrier.arrive $0xFFFF  }
0x36: {  	_ =	shalt  }

</sc_bundles>
